<compile_context>
chip_gen: v7x
topology: tpu7x:2x2x1
jax: 0.10.2.dev20260603
libtpu: 0.0.44.dev20260713+nightly
codegen_flags: <defaults>
</compile_context>

<pallas_src>
import functools

import jax
import jax.numpy as jnp
from jax import lax
from jax.experimental import pallas as pl
from jax.experimental.pallas import tpu as pltpu
from jax.experimental.pallas import tpu_sc as plsc

B, D, H, W = 4, 96, 96, 96
N = D * H * W
TOT = B * N
NTILES = 32
SPT = TOT // NTILES
CHUNK = 1536
NV = CHUNK // 16
NC = SPT // CHUNK
FMAX = float(W - 1)
SHIFTS = (0, 1, W, W + 1, H * W, H * W + 1, H * W + W, H * W + W + 1)


def _coords(transfos):
    zs = jnp.linspace(-1.0, 1.0, D)
    ys = jnp.linspace(-1.0, 1.0, H)
    xs = jnp.linspace(-1.0, 1.0, W)
    mz, my, mx = jnp.meshgrid(zs, ys, xs, indexing="ij")
    grid = jnp.stack([mx.reshape(-1), my.reshape(-1), mz.reshape(-1),
                      jnp.ones(N, dtype=jnp.float32)], axis=0)
    points = jnp.einsum("bij,jn->bin", transfos, grid)
    coeff = jnp.float32((W - 1) / 2.0)
    ix = coeff * points[:, 0, :] + coeff
    iy = coeff * points[:, 1, :] + coeff
    iz = coeff * points[:, 2, :] + coeff
    return ix.reshape(-1), iy.reshape(-1), iz.reshape(-1)


PAD = 9320
HHW = 1536 + PAD


@functools.partial(
    pl.kernel,
    out_type=jax.ShapeDtypeStruct((TOT, 8), jnp.float32),
    mesh=plsc.VectorSubcoreMesh(core_axis_name="c", subcore_axis_name="s"),
    compiler_params=pltpu.CompilerParams(needs_layout_passes=False,
                                         use_tc_tiling_on_sc=False),
    scratch_types=[
        pltpu.VMEM((HHW,), jnp.float32),
        pltpu.VMEM((1536, 8), jnp.float32),
    ],
)
def _build(imgpad_hbm, img2_hbm, win_v, buf_v):
    wid = lax.axis_index("s") * 2 + lax.axis_index("c")
    lanes = lax.iota(jnp.int32, 16)

    def chunk_body(g, carry):
        s = wid * SPT + g * 1536
        pltpu.sync_copy(imgpad_hbm.at[pl.ds(s, HHW)], win_v)

        def rows16(v, c2):
            base = v * 16
            rows = lanes + base
            for j, sh in enumerate(SHIFTS):
                vec = plsc.load_gather(win_v, [rows + sh])
                plsc.store_scatter(buf_v, [rows, jnp.full((16,), j, jnp.int32)], vec)
            return c2

        lax.fori_loop(0, NV, rows16, 0)
        pltpu.sync_copy(buf_v, img2_hbm.at[pl.ds(s, 1536)])
        return carry

    lax.fori_loop(0, NC, chunk_body, 0)


@functools.partial(
    pl.kernel,
    out_type=jax.ShapeDtypeStruct((TOT,), jnp.float32),
    mesh=plsc.VectorSubcoreMesh(core_axis_name="c", subcore_axis_name="s"),
    compiler_params=pltpu.CompilerParams(needs_layout_passes=False,
                                         use_tc_tiling_on_sc=False),
    scratch_types=[
        pltpu.VMEM((3 * CHUNK,), jnp.float32),
        pltpu.VMEM((3 * CHUNK,), jnp.float32),
        pltpu.VMEM((CHUNK,), jnp.int32),
        pltpu.VMEM((CHUNK,), jnp.int32),
        pltpu.VMEM((8 * CHUNK,), jnp.float32),
        pltpu.VMEM((8 * CHUNK,), jnp.float32),
        pltpu.VMEM((CHUNK, 8), jnp.float32),
        pltpu.VMEM((CHUNK, 8), jnp.float32),
        pltpu.VMEM((CHUNK,), jnp.float32),
        pltpu.SemaphoreType.DMA,
        pltpu.SemaphoreType.DMA,
    ],
)
def _interp(img2_hbm, ix_hbm, iy_hbm, iz_hbm, out_hbm,
            crd0, crd1, idx0, idx1, w0, w1, vals0, vals1, out_v, sem0, sem1):
    wid = lax.axis_index("s") * 2 + lax.axis_index("c")
    bbase = (wid // (NTILES // B)) * N
    bbv = jnp.full((16,), bbase, jnp.int32)
    lanes = lax.iota(jnp.int32, 16)

    def pass1(g, crd_v, idx_v, w_v):
        start = wid * SPT + g * CHUNK
        pltpu.sync_copy(ix_hbm.at[pl.ds(start, CHUNK)], crd_v.at[pl.ds(0, CHUNK)])
        pltpu.sync_copy(iy_hbm.at[pl.ds(start, CHUNK)], crd_v.at[pl.ds(CHUNK, CHUNK)])
        pltpu.sync_copy(iz_hbm.at[pl.ds(start, CHUNK)], crd_v.at[pl.ds(2 * CHUNK, CHUNK)])

        def body(v, c2):
            base = v * 16
            ix = crd_v[pl.ds(base, 16)]
            iy = crd_v[pl.ds(CHUNK + base, 16)]
            iz = crd_v[pl.ds(2 * CHUNK + base, 16)]
            valid = ((ix >= 0.0) & (ix <= FMAX) & (iy >= 0.0) & (iy <= FMAX)
                     & (iz >= 0.0) & (iz <= FMAX))
            vf = jnp.where(valid, jnp.float32(1.0), jnp.float32(0.0))
            ix0 = jnp.clip(ix, 0.0, FMAX).astype(jnp.int32)
            iy0 = jnp.clip(iy, 0.0, FMAX).astype(jnp.int32)
            iz0 = jnp.clip(iz, 0.0, FMAX).astype(jnp.int32)
            fx = ix - ix0.astype(jnp.float32)
            fy = iy - iy0.astype(jnp.float32)
            fz = iz - iz0.astype(jnp.float32)
            ux = (jnp.abs(fx - 1.0) * vf, jnp.abs(fx) * vf)
            uy = (jnp.abs(fy - 1.0), jnp.abs(fy))
            uz = (jnp.abs(fz - 1.0), jnp.abs(fz))
            uyz = (uy[0] * uz[0], uy[0] * uz[1], uy[1] * uz[0], uy[1] * uz[1])
            idx_v[pl.ds(base, 16)] = (ix0 + iy0 * W) + (iz0 * (H * W) + bbv)
            for c in range(8):
                dx, dy, dz = c >> 2, (c >> 1) & 1, c & 1
                w_v[pl.ds(c * CHUNK + base, 16)] = ux[dx] * uyz[2 * dy + dz]
            return c2

        lax.fori_loop(0, NV, body, 0)

    def pass2(g, w_v, vals_v):
        def body(v, c2):
            base = v * 16
            rows = lanes + base
            acc = None
            for c in range(8):
                dx, dy, dz = c >> 2, (c >> 1) & 1, c & 1
                col = jnp.full((16,), (dz << 2) | (dy << 1) | dx, jnp.int32)
                vc = plsc.load_gather(vals_v, [rows, col])
                wv = w_v[pl.ds(c * CHUNK + base, 16)]
                acc = wv * vc if acc is None else acc + wv * vc
            out_v[pl.ds(base, 16)] = acc
            return c2

        lax.fori_loop(0, NV, body, 0)
        pltpu.sync_copy(out_v, out_hbm.at[pl.ds(wid * SPT + g * CHUNK, CHUNK)])

    pass1(0, crd0, idx0, w0)
    pltpu.async_copy(img2_hbm.at[idx0], vals0, sem0)

    def two_chunks(h, carry):
        g0 = 2 * h
        pass1(g0 + 1, crd1, idx1, w1)
        pltpu.async_copy(img2_hbm.at[idx1], vals1, sem1)
        pltpu.make_async_copy(img2_hbm.at[idx0], vals0, sem0).wait()
        pass2(g0, w0, vals0)

        @pl.when(g0 + 2 < NC)
        def _():
            pass1(g0 + 2, crd0, idx0, w0)
            pltpu.async_copy(img2_hbm.at[idx0], vals0, sem0)

        pltpu.make_async_copy(img2_hbm.at[idx1], vals1, sem1).wait()
        pass2(g0 + 1, w1, vals1)
        return carry

    lax.fori_loop(0, NC // 2, two_chunks, 0)


def kernel(img, transfos):
    img_flat = img.reshape(-1)
    imgpad = jnp.concatenate([img_flat, jnp.zeros((PAD,), jnp.float32)])
    img2 = _build(imgpad)
    ix, iy, iz = _coords(transfos)
    out = _interp(img2, ix, iy, iz)
    return out.reshape(img.shape)

# --- scband reference (transcript-rebuilt; emitter-appended) ---
"""Pipeline reference for scband-linear-transformation-45878840656436 (READ-ONLY COPY).

The authoritative reference and input builder live on the scoring server;
editing this copy changes nothing except your own understanding.
"""

import jax, jax.numpy as jnp
import numpy as np

OFFSETS = np.array([[0.,0.,0.],[0.,0.,1.],[0.,1.,0.],[0.,1.,1.],[1.,0.,0.],[1.,0.,1.],[1.,1.,0.],[1.,1.,1.]], dtype=np.float32)

def setup_inputs(seed: int = 0):
    key = jax.random.key(seed)
    k1, k2 = jax.random.split(key)
    img = jax.random.normal(k1, (4, 96, 96, 96, 1), dtype=jnp.float32)
    eye = jnp.concatenate([jnp.eye(3, dtype=jnp.float32), jnp.zeros((3, 1), dtype=jnp.float32)], axis=1)
    transfos = eye[None, :, :] + 0.1 * jax.random.normal(k2, (4, 3, 4), dtype=jnp.float32)
    return {"img": img, "transfos": transfos}

def _forward(img, transfos):
    min_ref = jnp.array([-1.0, -1.0, -1.0], dtype=jnp.float32)
    max_ref = jnp.array([1.0, 1.0, 1.0], dtype=jnp.float32)
    B, D, H, W, C = img.shape
    N = D * H * W
    zs = jnp.linspace(min_ref[2], max_ref[2], D)
    ys = jnp.linspace(min_ref[1], max_ref[1], H)
    xs = jnp.linspace(min_ref[0], max_ref[0], W)
    mz, my, mx = jnp.meshgrid(zs, ys, xs, indexing='ij')
    grid = jnp.stack([mx.reshape(-1), my.reshape(-1), mz.reshape(-1), jnp.ones(N, dtype=jnp.float32)], axis=0)
    points = jnp.einsum('bij,jn->bin', transfos, grid)
    wf, hf, df = float(W), float(H), float(D)
    coeff_x = (wf - 1.0) / (max_ref[0] - min_ref[0])
    coeff_y = (hf - 1.0) / (max_ref[1] - min_ref[1])
    coeff_z = (df - 1.0) / (max_ref[2] - min_ref[2])
    ix = coeff_x * points[:, 0, :] - coeff_x * min_ref[0]
    iy = coeff_y * points[:, 1, :] - coeff_y * min_ref[1]
    iz = coeff_z * points[:, 2, :] - coeff_z * min_ref[2]
    valid = ((ix <= wf - 1.0) & (ix >= 0.0) & (iy <= hf - 1.0) & (iy >= 0.0) & (iz <= df - 1.0) & (iz >= 0.0)).astype(jnp.float32)[..., None]
    ix_nwt = jnp.clip(jnp.floor(ix), 0.0, wf - 1.0)
    iy_nwt = jnp.clip(jnp.floor(iy), 0.0, hf - 1.0)
    iz_nwt = jnp.clip(jnp.floor(iz), 0.0, df - 1.0)
    ix_i = ix_nwt.astype(jnp.int32)
    iy_i = iy_nwt.astype(jnp.int32)
    iz_i = iz_nwt.astype(jnp.int32)
    im_flat = img.reshape(-1, C)
    ibatch = (jnp.arange(B, dtype=jnp.int32) * N)[:, None]
    output = jnp.zeros((B, N, C), dtype=jnp.float32)
    for c in range(8):
        offw = OFFSETS[-c - 1]
        offi = OFFSETS[c].astype(np.int32)
        nc = jnp.abs((ix - (ix_nwt + offw[0])) * (iy - (iy_nwt + offw[1])) * (iz - (iz_nwt + offw[2])))[..., None]
        idx = ibatch + jnp.clip(ix_i + int(offi[0]), 0, W - 1) + W * jnp.clip(iy_i + int(offi[1]), 0, H - 1) + W * H * jnp.clip(iz_i + int(offi[2]), 0, D - 1)
        Ic = jnp.take(im_flat, idx, axis=0)
        output = output + nc * Ic
    output = output * valid
    return output.reshape(img.shape)

def reference(img, transfos):
    return _forward(img, transfos)

if __name__ == "__main__":
    import jax
    _d = setup_inputs()
    print(jax.jit(kernel)(*tuple(_d.values())))

</pallas_src>

<mosaic_0001>
#map = affine_map<(d0, d1) -> (0)>
#map1 = affine_map<(d0, d1) -> (0, 0)>
module attributes {stable_mosaic.version = 14 : i64} {
  func.func @_build(%arg0: i32, %arg1: i32, %arg2: memref<3548264xf32, #tpu.memory_space<hbm>>, %arg3: memref<3538944x8xf32, #tpu.memory_space<hbm>>, %arg4: memref<10856xf32, #tpu.memory_space<vmem>>, %arg5: memref<1536x8xf32, #tpu.memory_space<vmem>>) attributes {dimension_semantics = [#tpu.dimension_semantics<core_parallel>, #tpu.dimension_semantics<subcore_parallel>], iteration_bounds = array<i64: 2, 16>, scalar_prefetch = 0 : i64, scratch_operands = 2 : i64, tpu.core_type = #tpu.core_type<sc_vector_subcore>, window_params = [{transform_indices = #map}, {transform_indices = #map1}]} {
    %mul3A = arith.constant 2 : i32
    %mul3A_0 = arith.muli %arg1, %mul3A : i32
    %add3A = arith.addi %mul3A_0, %arg0 : i32
    %iota3A = tpu.iota {dimensions = array<i32: 0>} : vector<16xi32>
    %scan3A = arith.constant 0 : i32
    %scan3A_1 = arith.constant 0 : i32
    %scan3A_2 = arith.constant 72 : i32
    %scan3A_3 = arith.addi %scan3A_1, %scan3A_2 : i32
    %scan3A_4 = arith.constant 1 : i32
    scf.for %scan3A_6 = %scan3A_1 to %scan3A_3 step %scan3A_4  : i32 {
      %mul3A_7 = arith.constant 110592 : i32
      %mul3A_8 = arith.muli %add3A, %mul3A_7 : i32
      %mul3A_9 = arith.constant 1536 : i32
      %mul3A_10 = arith.muli %scan3A_6, %mul3A_9 : i32
      %add3A_11 = arith.addi %mul3A_8, %mul3A_10 : i32
      "tpu.region"() ({
        %run_scoped3A = tpu.sem_alloc : memref<!tpu.dma_semaphore, #tpu.memory_space<semaphore_mem>>
        %dma_start3A = tpu.memref_slice %arg2[%add3A_11] : memref<3548264xf32, #tpu.memory_space<hbm>> -> memref<10856xf32, #tpu.memory_space<hbm>>
        %dma_start3A_18 = tpu.memref_slice %arg2[%add3A_11] : memref<3548264xf32, #tpu.memory_space<hbm>> -> memref<10856xf32, #tpu.memory_space<hbm>>
        tpu.enqueue_dma source(%dma_start3A_18 : memref<10856xf32, #tpu.memory_space<hbm>>) target(%arg4 : memref<10856xf32, #tpu.memory_space<vmem>>) target_semaphore(%run_scoped3A : memref<!tpu.dma_semaphore, #tpu.memory_space<semaphore_mem>>)
        %dma_wait3A = tpu.memref_slice %arg2[%add3A_11] : memref<3548264xf32, #tpu.memory_space<hbm>> -> memref<10856xf32, #tpu.memory_space<hbm>>
        %dma_wait3A_19 = tpu.memref_slice %arg2[%add3A_11] : memref<3548264xf32, #tpu.memory_space<hbm>> -> memref<10856xf32, #tpu.memory_space<hbm>>
        tpu.wait_dma2 semaphore(%run_scoped3A : memref<!tpu.dma_semaphore, #tpu.memory_space<semaphore_mem>>) src(%dma_wait3A_19 : memref<10856xf32, #tpu.memory_space<hbm>>) dst(%arg4 : memref<10856xf32, #tpu.memory_space<vmem>>)
        tpu.yield
      }) : () -> ()
      %scan3A_12 = arith.constant 0 : i32
      %scan3A_13 = arith.constant 0 : i32
      %scan3A_14 = arith.constant 96 : i32
      %scan3A_15 = arith.addi %scan3A_13, %scan3A_14 : i32
      %scan3A_16 = arith.constant 1 : i32
      scf.for %scan3A_18 = %scan3A_13 to %scan3A_15 step %scan3A_16  : i32 {
        %mul3A_19 = arith.constant 16 : i32
        %mul3A_20 = arith.muli %scan3A_18, %mul3A_19 : i32
        %add3A_21 = vector.broadcast %mul3A_20 : i32 to vector<16xi32>
        %add3A_22 = arith.addi %iota3A, %add3A_21 : vector<16xi32>
        %add3A_23 = arith.constant 0 : i32
        %add3A_24 = vector.broadcast %add3A_23 : i32 to vector<16xi32>
        %add3A_25 = arith.addi %add3A_22, %add3A_24 : vector<16xi32>
        %gather3A = tpu.vector_load_idx %arg4[%add3A_25] : memref<10856xf32, #tpu.memory_space<vmem>>[vector<16xi32>], vector<16xf32>,
        %broadcast_in_dim3A = arith.constant 0 : i32
        %broadcast_in_dim3A_26 = vector.broadcast %broadcast_in_dim3A : i32 to vector<16xi32>
        tpu.vector_store_idx %arg5[%add3A_22, %broadcast_in_dim3A_26], %gather3A : memref<1536x8xf32, #tpu.memory_space<vmem>>[vector<16xi32>, vector<16xi32>], vector<16xf32>,
        %add3A_27 = arith.constant 1 : i32
        %add3A_28 = vector.broadcast %add3A_27 : i32 to vector<16xi32>
        %add3A_29 = arith.addi %add3A_22, %add3A_28 : vector<16xi32>
        %gather3A_30 = tpu.vector_load_idx %arg4[%add3A_29] : memref<10856xf32, #tpu.memory_space<vmem>>[vector<16xi32>], vector<16xf32>,
        %broadcast_in_dim3A_31 = arith.constant 1 : i32
        %broadcast_in_dim3A_32 = vector.broadcast %broadcast_in_dim3A_31 : i32 to vector<16xi32>
        tpu.vector_store_idx %arg5[%add3A_22, %broadcast_in_dim3A_32], %gather3A_30 : memref<1536x8xf32, #tpu.memory_space<vmem>>[vector<16xi32>, vector<16xi32>], vector<16xf32>,
        %add3A_33 = arith.constant 96 : i32
        %add3A_34 = vector.broadcast %add3A_33 : i32 to vector<16xi32>
        %add3A_35 = arith.addi %add3A_22, %add3A_34 : vector<16xi32>
        %gather3A_36 = tpu.vector_load_idx %arg4[%add3A_35] : memref<10856xf32, #tpu.memory_space<vmem>>[vector<16xi32>], vector<16xf32>,
        %broadcast_in_dim3A_37 = arith.constant 2 : i32
        %broadcast_in_dim3A_38 = vector.broadcast %broadcast_in_dim3A_37 : i32 to vector<16xi32>
        tpu.vector_store_idx %arg5[%add3A_22, %broadcast_in_dim3A_38], %gather3A_36 : memref<1536x8xf32, #tpu.memory_space<vmem>>[vector<16xi32>, vector<16xi32>], vector<16xf32>,
        %add3A_39 = arith.constant 97 : i32
        %add3A_40 = vector.broadcast %add3A_39 : i32 to vector<16xi32>
        %add3A_41 = arith.addi %add3A_22, %add3A_40 : vector<16xi32>
        %gather3A_42 = tpu.vector_load_idx %arg4[%add3A_41] : memref<10856xf32, #tpu.memory_space<vmem>>[vector<16xi32>], vector<16xf32>,
        %broadcast_in_dim3A_43 = arith.constant 3 : i32
        %broadcast_in_dim3A_44 = vector.broadcast %broadcast_in_dim3A_43 : i32 to vector<16xi32>
        tpu.vector_store_idx %arg5[%add3A_22, %broadcast_in_dim3A_44], %gather3A_42 : memref<1536x8xf32, #tpu.memory_space<vmem>>[vector<16xi32>, vector<16xi32>], vector<16xf32>,
        %add3A_45 = arith.constant 9216 : i32
        %add3A_46 = vector.broadcast %add3A_45 : i32 to vector<16xi32>
        %add3A_47 = arith.addi %add3A_22, %add3A_46 : vector<16xi32>
        %gather3A_48 = tpu.vector_load_idx %arg4[%add3A_47] : memref<10856xf32, #tpu.memory_space<vmem>>[vector<16xi32>], vector<16xf32>,
        %broadcast_in_dim3A_49 = arith.constant 4 : i32
        %broadcast_in_dim3A_50 = vector.broadcast %broadcast_in_dim3A_49 : i32 to vector<16xi32>
        tpu.vector_store_idx %arg5[%add3A_22, %broadcast_in_dim3A_50], %gather3A_48 : memref<1536x8xf32, #tpu.memory_space<vmem>>[vector<16xi32>, vector<16xi32>], vector<16xf32>,
        %add3A_51 = arith.constant 9217 : i32
        %add3A_52 = vector.broadcast %add3A_51 : i32 to vector<16xi32>
        %add3A_53 = arith.addi %add3A_22, %add3A_52 : vector<16xi32>
        %gather3A_54 = tpu.vector_load_idx %arg4[%add3A_53] : memref<10856xf32, #tpu.memory_space<vmem>>[vector<16xi32>], vector<16xf32>,
        %broadcast_in_dim3A_55 = arith.constant 5 : i32
        %broadcast_in_dim3A_56 = vector.broadcast %broadcast_in_dim3A_55 : i32 to vector<16xi32>
        tpu.vector_store_idx %arg5[%add3A_22, %broadcast_in_dim3A_56], %gather3A_54 : memref<1536x8xf32, #tpu.memory_space<vmem>>[vector<16xi32>, vector<16xi32>], vector<16xf32>,
        %add3A_57 = arith.constant 9312 : i32
        %add3A_58 = vector.broadcast %add3A_57 : i32 to vector<16xi32>
        %add3A_59 = arith.addi %add3A_22, %add3A_58 : vector<16xi32>
        %gather3A_60 = tpu.vector_load_idx %arg4[%add3A_59] : memref<10856xf32, #tpu.memory_space<vmem>>[vector<16xi32>], vector<16xf32>,
        %broadcast_in_dim3A_61 = arith.constant 6 : i32
        %broadcast_in_dim3A_62 = vector.broadcast %broadcast_in_dim3A_61 : i32 to vector<16xi32>
        tpu.vector_store_idx %arg5[%add3A_22, %broadcast_in_dim3A_62], %gather3A_60 : memref<1536x8xf32, #tpu.memory_space<vmem>>[vector<16xi32>, vector<16xi32>], vector<16xf32>,
        %add3A_63 = arith.constant 9313 : i32
        %add3A_64 = vector.broadcast %add3A_63 : i32 to vector<16xi32>
        %add3A_65 = arith.addi %add3A_22, %add3A_64 : vector<16xi32>
        %gather3A_66 = tpu.vector_load_idx %arg4[%add3A_65] : memref<10856xf32, #tpu.memory_space<vmem>>[vector<16xi32>], vector<16xf32>,
        %broadcast_in_dim3A_67 = arith.constant 7 : i32
        %broadcast_in_dim3A_68 = vector.broadcast %broadcast_in_dim3A_67 : i32 to vector<16xi32>
        tpu.vector_store_idx %arg5[%add3A_22, %broadcast_in_dim3A_68], %gather3A_66 : memref<1536x8xf32, #tpu.memory_space<vmem>>[vector<16xi32>, vector<16xi32>], vector<16xf32>,
      }
      %scan3A_17 = arith.constant 96 : i32
      "tpu.region"() ({
        %run_scoped3A = tpu.sem_alloc : memref<!tpu.dma_semaphore, #tpu.memory_space<semaphore_mem>>
        %dma_start3A = arith.constant 0 : i32
        %dma_start3A_18 = tpu.memref_slice %arg3[%add3A_11, %dma_start3A] : memref<3538944x8xf32, #tpu.memory_space<hbm>> -> memref<1536x8xf32, #tpu.memory_space<hbm>>
        %dma_start3A_19 = arith.constant 0 : i32
        %dma_start3A_20 = tpu.memref_slice %arg3[%add3A_11, %dma_start3A_19] : memref<3538944x8xf32, #tpu.memory_space<hbm>> -> memref<1536x8xf32, #tpu.memory_space<hbm>>
        tpu.enqueue_dma source(%arg5 : memref<1536x8xf32, #tpu.memory_space<vmem>>) target(%dma_start3A_20 : memref<1536x8xf32, #tpu.memory_space<hbm>>) target_semaphore(%run_scoped3A : memref<!tpu.dma_semaphore, #tpu.memory_space<semaphore_mem>>)
        %dma_wait3A = arith.constant 0 : i32
        %dma_wait3A_21 = tpu.memref_slice %arg3[%add3A_11, %dma_wait3A] : memref<3538944x8xf32, #tpu.memory_space<hbm>> -> memref<1536x8xf32, #tpu.memory_space<hbm>>
        %dma_wait3A_22 = arith.constant 0 : i32
        %dma_wait3A_23 = tpu.memref_slice %arg3[%add3A_11, %dma_wait3A_22] : memref<3538944x8xf32, #tpu.memory_space<hbm>> -> memref<1536x8xf32, #tpu.memory_space<hbm>>
        tpu.wait_dma2 semaphore(%run_scoped3A : memref<!tpu.dma_semaphore, #tpu.memory_space<semaphore_mem>>) src(%arg5 : memref<1536x8xf32, #tpu.memory_space<vmem>>) dst(%dma_wait3A_23 : memref<1536x8xf32, #tpu.memory_space<hbm>>)
        tpu.yield
      }) : () -> ()
    }
    %scan3A_5 = arith.constant 72 : i32
    return
  }
}

#map = affine_map<(d0, d1) -> (0, 0)>
#map1 = affine_map<(d0, d1) -> (0)>
module attributes {stable_mosaic.version = 14 : i64} {
  func.func @_interp(%arg0: i32, %arg1: i32, %arg2: memref<3538944x8xf32, #tpu.memory_space<hbm>>, %arg3: memref<3538944xf32, #tpu.memory_space<hbm>>, %arg4: memref<3538944xf32, #tpu.memory_space<hbm>>, %arg5: memref<3538944xf32, #tpu.memory_space<hbm>>, %arg6: memref<3538944xf32, #tpu.memory_space<hbm>>, %arg7: memref<4608xf32, #tpu.memory_space<vmem>>, %arg8: memref<4608xf32, #tpu.memory_space<vmem>>, %arg9: memref<1536xi32, #tpu.memory_space<vmem>>, %arg10: memref<1536xi32, #tpu.memory_space<vmem>>, %arg11: memref<12288xf32, #tpu.memory_space<vmem>>, %arg12: memref<12288xf32, #tpu.memory_space<vmem>>, %arg13: memref<1536x8xf32, #tpu.memory_space<vmem>>, %arg14: memref<1536x8xf32, #tpu.memory_space<vmem>>, %arg15: memref<1536xf32, #tpu.memory_space<vmem>>, %arg16: memref<!tpu.dma_semaphore, #tpu.memory_space<semaphore_mem>>, %arg17: memref<!tpu.dma_semaphore, #tpu.memory_space<semaphore_mem>>) attributes {dimension_semantics = [#tpu.dimension_semantics<core_parallel>, #tpu.dimension_semantics<subcore_parallel>], iteration_bounds = array<i64: 2, 16>, scalar_prefetch = 0 : i64, scratch_operands = 11 : i64, tpu.core_type = #tpu.core_type<sc_vector_subcore>, window_params = [{transform_indices = #map}, {transform_indices = #map1}, {transform_indices = #map1}, {transform_indices = #map1}, {transform_indices = #map1}]} {
    %mul3A = arith.constant 2 : i32
    %mul3A_0 = arith.muli %arg1, %mul3A : i32
    %add3A = arith.addi %mul3A_0, %arg0 : i32
    %jit3A = arith.constant 8 : i32
    %div3A = arith.divsi %add3A, %jit3A : i32
    %sign3A = arith.constant 0 : i32
    %sign3A_1 = arith.cmpi sgt, %add3A, %sign3A : i32
    %sign3A_2 = arith.extui %sign3A_1 : i1 to i32
    %sign3A_3 = arith.constant 0 : i32
    %sign3A_4 = arith.cmpi slt, %add3A, %sign3A_3 : i32
    %sign3A_5 = arith.extui %sign3A_4 : i1 to i32
    %sign3A_6 = arith.subi %sign3A_2, %sign3A_5 : i32
    %sign3A_7 = arith.constant 0 : i32
    %sign3A_8 = arith.cmpi sgt, %jit3A, %sign3A_7 : i32
    %sign3A_9 = arith.extui %sign3A_8 : i1 to i32
    %sign3A_10 = arith.constant 0 : i32
    %sign3A_11 = arith.cmpi slt, %jit3A, %sign3A_10 : i32
    %sign3A_12 = arith.extui %sign3A_11 : i1 to i32
    %sign3A_13 = arith.subi %sign3A_9, %sign3A_12 : i32
    %ne3A = arith.cmpi ne, %sign3A_6, %sign3A_13 : i32
    %rem3A = arith.remsi %add3A, %jit3A : i32
    %ne3A_14 = arith.constant 0 : i32
    %ne3A_15 = arith.cmpi ne, %rem3A, %ne3A_14 : i32
    %and3A = arith.andi %ne3A, %ne3A_15 : i1
    %sub3A = arith.constant 1 : i32
    %sub3A_16 = arith.subi %div3A, %sub3A : i32
    %select_n3A = arith.select %and3A, %sub3A_16, %div3A : i32
    %mul3A_17 = arith.constant 884736 : i32
    %mul3A_18 = arith.muli %select_n3A, %mul3A_17 : i32
    %broadcast_in_dim3A = vector.broadcast %mul3A_18 : i32 to vector<16xi32>
    %iota3A = tpu.iota {dimensions = array<i32: 0>} : vector<16xi32>
    %mul3A_19 = arith.constant 110592 : i32
    %mul3A_20 = arith.muli %add3A, %mul3A_19 : i32
    %add3A_21 = arith.constant 0 : i32
    %add3A_22 = arith.addi %mul3A_20, %add3A_21 : i32
    "tpu.region"() ({
      %run_scoped3A = tpu.sem_alloc : memref<!tpu.dma_semaphore, #tpu.memory_space<semaphore_mem>>
      %dma_start3A_36 = arith.constant 0 : i32
      %dma_start3A_37 = tpu.memref_slice %arg7[%dma_start3A_36] : memref<4608xf32, #tpu.memory_space<vmem>> -> memref<1536xf32, #tpu.memory_space<vmem>>
      %dma_start3A_38 = tpu.memref_slice %arg3[%add3A_22] : memref<3538944xf32, #tpu.memory_space<hbm>> -> memref<1536xf32, #tpu.memory_space<hbm>>
      %dma_start3A_39 = arith.constant 0 : i32
      %dma_start3A_40 = tpu.memref_slice %arg7[%dma_start3A_39] : memref<4608xf32, #tpu.memory_space<vmem>> -> memref<1536xf32, #tpu.memory_space<vmem>>
      %dma_start3A_41 = tpu.memref_slice %arg3[%add3A_22] : memref<3538944xf32, #tpu.memory_space<hbm>> -> memref<1536xf32, #tpu.memory_space<hbm>>
      tpu.enqueue_dma source(%dma_start3A_41 : memref<1536xf32, #tpu.memory_space<hbm>>) target(%dma_start3A_40 : memref<1536xf32, #tpu.memory_space<vmem>>) target_semaphore(%run_scoped3A : memref<!tpu.dma_semaphore, #tpu.memory_space<semaphore_mem>>)
      %dma_wait3A = arith.constant 0 : i32
      %dma_wait3A_42 = tpu.memref_slice %arg7[%dma_wait3A] : memref<4608xf32, #tpu.memory_space<vmem>> -> memref<1536xf32, #tpu.memory_space<vmem>>
      %dma_wait3A_43 = tpu.memref_slice %arg3[%add3A_22] : memref<3538944xf32, #tpu.memory_space<hbm>> -> memref<1536xf32, #tpu.memory_space<hbm>>
      %dma_wait3A_44 = arith.constant 0 : i32
      %dma_wait3A_45 = tpu.memref_slice %arg7[%dma_wait3A_44] : memref<4608xf32, #tpu.memory_space<vmem>> -> memref<1536xf32, #tpu.memory_space<vmem>>
      %dma_wait3A_46 = tpu.memref_slice %arg3[%add3A_22] : memref<3538944xf32, #tpu.memory_space<hbm>> -> memref<1536xf32, #tpu.memory_space<hbm>>
      tpu.wait_dma2 semaphore(%run_scoped3A : memref<!tpu.dma_semaphore, #tpu.memory_space<semaphore_mem>>) src(%dma_wait3A_46 : memref<1536xf32, #tpu.memory_space<hbm>>) dst(%dma_wait3A_45 : memref<1536xf32, #tpu.memory_space<vmem>>)
      tpu.yield
    }) : () -> ()
    "tpu.region"() ({
      %run_scoped3A = tpu.sem_alloc : memref<!tpu.dma_semaphore, #tpu.memory_space<semaphore_mem>>
      %dma_start3A_36 = arith.constant 1536 : i32
      %dma_start3A_37 = tpu.memref_slice %arg7[%dma_start3A_36] : memref<4608xf32, #tpu.memory_space<vmem>> -> memref<1536xf32, #tpu.memory_space<vmem>>
      %dma_start3A_38 = tpu.memref_slice %arg4[%add3A_22] : memref<3538944xf32, #tpu.memory_space<hbm>> -> memref<1536xf32, #tpu.memory_space<hbm>>
      %dma_start3A_39 = arith.constant 1536 : i32
      %dma_start3A_40 = tpu.memref_slice %arg7[%dma_start3A_39] : memref<4608xf32, #tpu.memory_space<vmem>> -> memref<1536xf32, #tpu.memory_space<vmem>>
      %dma_start3A_41 = tpu.memref_slice %arg4[%add3A_22] : memref<3538944xf32, #tpu.memory_space<hbm>> -> memref<1536xf32, #tpu.memory_space<hbm>>
      tpu.enqueue_dma source(%dma_start3A_41 : memref<1536xf32, #tpu.memory_space<hbm>>) target(%dma_start3A_40 : memref<1536xf32, #tpu.memory_space<vmem>>) target_semaphore(%run_scoped3A : memref<!tpu.dma_semaphore, #tpu.memory_space<semaphore_mem>>)
      %dma_wait3A = arith.constant 1536 : i32
      %dma_wait3A_42 = tpu.memref_slice %arg7[%dma_wait3A] : memref<4608xf32, #tpu.memory_space<vmem>> -> memref<1536xf32, #tpu.memory_space<vmem>>
      %dma_wait3A_43 = tpu.memref_slice %arg4[%add3A_22] : memref<3538944xf32, #tpu.memory_space<hbm>> -> memref<1536xf32, #tpu.memory_space<hbm>>
      %dma_wait3A_44 = arith.constant 1536 : i32
      %dma_wait3A_45 = tpu.memref_slice %arg7[%dma_wait3A_44] : memref<4608xf32, #tpu.memory_space<vmem>> -> memref<1536xf32, #tpu.memory_space<vmem>>
      %dma_wait3A_46 = tpu.memref_slice %arg4[%add3A_22] : memref<3538944xf32, #tpu.memory_space<hbm>> -> memref<1536xf32, #tpu.memory_space<hbm>>
      tpu.wait_dma2 semaphore(%run_scoped3A : memref<!tpu.dma_semaphore, #tpu.memory_space<semaphore_mem>>) src(%dma_wait3A_46 : memref<1536xf32, #tpu.memory_space<hbm>>) dst(%dma_wait3A_45 : memref<1536xf32, #tpu.memory_space<vmem>>)
      tpu.yield
    }) : () -> ()
    "tpu.region"() ({
      %run_scoped3A = tpu.sem_alloc : memref<!tpu.dma_semaphore, #tpu.memory_space<semaphore_mem>>
      %dma_start3A_36 = arith.constant 3072 : i32
      %dma_start3A_37 = tpu.memref_slice %arg7[%dma_start3A_36] : memref<4608xf32, #tpu.memory_space<vmem>> -> memref<1536xf32, #tpu.memory_space<vmem>>
      %dma_start3A_38 = tpu.memref_slice %arg5[%add3A_22] : memref<3538944xf32, #tpu.memory_space<hbm>> -> memref<1536xf32, #tpu.memory_space<hbm>>
      %dma_start3A_39 = arith.constant 3072 : i32
      %dma_start3A_40 = tpu.memref_slice %arg7[%dma_start3A_39] : memref<4608xf32, #tpu.memory_space<vmem>> -> memref<1536xf32, #tpu.memory_space<vmem>>
      %dma_start3A_41 = tpu.memref_slice %arg5[%add3A_22] : memref<3538944xf32, #tpu.memory_space<hbm>> -> memref<1536xf32, #tpu.memory_space<hbm>>
      tpu.enqueue_dma source(%dma_start3A_41 : memref<1536xf32, #tpu.memory_space<hbm>>) target(%dma_start3A_40 : memref<1536xf32, #tpu.memory_space<vmem>>) target_semaphore(%run_scoped3A : memref<!tpu.dma_semaphore, #tpu.memory_space<semaphore_mem>>)
      %dma_wait3A = arith.constant 3072 : i32
      %dma_wait3A_42 = tpu.memref_slice %arg7[%dma_wait3A] : memref<4608xf32, #tpu.memory_space<vmem>> -> memref<1536xf32, #tpu.memory_space<vmem>>
      %dma_wait3A_43 = tpu.memref_slice %arg5[%add3A_22] : memref<3538944xf32, #tpu.memory_space<hbm>> -> memref<1536xf32, #tpu.memory_space<hbm>>
      %dma_wait3A_44 = arith.constant 3072 : i32
      %dma_wait3A_45 = tpu.memref_slice %arg7[%dma_wait3A_44] : memref<4608xf32, #tpu.memory_space<vmem>> -> memref<1536xf32, #tpu.memory_space<vmem>>
      %dma_wait3A_46 = tpu.memref_slice %arg5[%add3A_22] : memref<3538944xf32, #tpu.memory_space<hbm>> -> memref<1536xf32, #tpu.memory_space<hbm>>
      tpu.wait_dma2 semaphore(%run_scoped3A : memref<!tpu.dma_semaphore, #tpu.memory_space<semaphore_mem>>) src(%dma_wait3A_46 : memref<1536xf32, #tpu.memory_space<hbm>>) dst(%dma_wait3A_45 : memref<1536xf32, #tpu.memory_space<vmem>>)
      tpu.yield
    }) : () -> ()
    %scan3A = arith.constant 0 : i32
    %scan3A_23 = arith.constant 0 : i32
    %scan3A_24 = arith.constant 96 : i32
    %scan3A_25 = arith.addi %scan3A_23, %scan3A_24 : i32
    %scan3A_26 = arith.constant 1 : i32
    scf.for %scan3A_36 = %scan3A_23 to %scan3A_25 step %scan3A_26  : i32 {
      %mul3A_37 = arith.constant 16 : i32
      %mul3A_38 = arith.muli %scan3A_36, %mul3A_37 : i32
      %get3A = arith.index_cast %mul3A_38 : i32 to index
      %get3A_39 = tpu.vector_load %arg7[%get3A] {strides = array<i32>} : memref<4608xf32, #tpu.memory_space<vmem>>, vector<16xf32>,
      %add3A_40 = arith.constant 1536 : i32
      %add3A_41 = arith.addi %add3A_40, %mul3A_38 : i32
      %get3A_42 = arith.index_cast %add3A_41 : i32 to index
      %get3A_43 = tpu.vector_load %arg7[%get3A_42] {strides = array<i32>} : memref<4608xf32, #tpu.memory_space<vmem>>, vector<16xf32>,
      %add3A_44 = arith.constant 3072 : i32
      %add3A_45 = arith.addi %add3A_44, %mul3A_38 : i32
      %get3A_46 = arith.index_cast %add3A_45 : i32 to index
      %get3A_47 = tpu.vector_load %arg7[%get3A_46] {strides = array<i32>} : memref<4608xf32, #tpu.memory_space<vmem>>, vector<16xf32>,
      %ge3A = arith.constant 0.000000e+00 : f32
      %ge3A_48 = vector.broadcast %ge3A : f32 to vector<16xf32>
      %ge3A_49 = arith.cmpf oge, %get3A_39, %ge3A_48 : vector<16xf32>
      %le3A = arith.constant 9.500000e+01 : f32
      %le3A_50 = vector.broadcast %le3A : f32 to vector<16xf32>
      %le3A_51 = arith.cmpf ole, %get3A_39, %le3A_50 : vector<16xf32>
      %and3A_52 = arith.andi %ge3A_49, %le3A_51 : vector<16xi1>
      %ge3A_53 = arith.constant 0.000000e+00 : f32
      %ge3A_54 = vector.broadcast %ge3A_53 : f32 to vector<16xf32>
      %ge3A_55 = arith.cmpf oge, %get3A_43, %ge3A_54 : vector<16xf32>
      %and3A_56 = arith.andi %and3A_52, %ge3A_55 : vector<16xi1>
      %le3A_57 = arith.constant 9.500000e+01 : f32
      %le3A_58 = vector.broadcast %le3A_57 : f32 to vector<16xf32>
      %le3A_59 = arith.cmpf ole, %get3A_43, %le3A_58 : vector<16xf32>
      %and3A_60 = arith.andi %and3A_56, %le3A_59 : vector<16xi1>
      %ge3A_61 = arith.constant 0.000000e+00 : f32
      %ge3A_62 = vector.broadcast %ge3A_61 : f32 to vector<16xf32>
      %ge3A_63 = arith.cmpf oge, %get3A_47, %ge3A_62 : vector<16xf32>
      %and3A_64 = arith.andi %and3A_60, %ge3A_63 : vector<16xi1>
      %le3A_65 = arith.constant 9.500000e+01 : f32
      %le3A_66 = vector.broadcast %le3A_65 : f32 to vector<16xf32>
      %le3A_67 = arith.cmpf ole, %get3A_47, %le3A_66 : vector<16xf32>
      %and3A_68 = arith.andi %and3A_64, %le3A_67 : vector<16xi1>
      %jit3A_69 = arith.constant 1.000000e+00 : f32
      %jit3A_70 = arith.constant 0.000000e+00 : f32
      %broadcast_in_dim3A_71 = vector.broadcast %jit3A_69 : f32 to vector<16xf32>
      %broadcast_in_dim3A_72 = vector.broadcast %jit3A_70 : f32 to vector<16xf32>
      %select_n3A_73 = arith.select %and3A_68, %broadcast_in_dim3A_71, %broadcast_in_dim3A_72 : vector<16xi1>, vector<16xf32>
      %jit3A_74 = arith.constant 0.000000e+00 : f32
      %jit3A_75 = arith.constant 9.500000e+01 : f32
      %max3A = vector.broadcast %jit3A_74 : f32 to vector<16xf32>
      %max3A_76 = arith.maximumf %max3A, %get3A_39 : vector<16xf32>
      %min3A = vector.broadcast %jit3A_75 : f32 to vector<16xf32>
      %min3A_77 = arith.minimumf %min3A, %max3A_76 : vector<16xf32>
      %convert_element_type3A = arith.fptosi %min3A_77 : vector<16xf32> to vector<16xi32>
      %jit3A_78 = arith.constant 0.000000e+00 : f32
      %jit3A_79 = arith.constant 9.500000e+01 : f32
      %max3A_80 = vector.broadcast %jit3A_78 : f32 to vector<16xf32>
      %max3A_81 = arith.maximumf %max3A_80, %get3A_43 : vector<16xf32>
      %min3A_82 = vector.broadcast %jit3A_79 : f32 to vector<16xf32>
      %min3A_83 = arith.minimumf %min3A_82, %max3A_81 : vector<16xf32>
      %convert_element_type3A_84 = arith.fptosi %min3A_83 : vector<16xf32> to vector<16xi32>
      %jit3A_85 = arith.constant 0.000000e+00 : f32
      %jit3A_86 = arith.constant 9.500000e+01 : f32
      %max3A_87 = vector.broadcast %jit3A_85 : f32 to vector<16xf32>
      %max3A_88 = arith.maximumf %max3A_87, %get3A_47 : vector<16xf32>
      %min3A_89 = vector.broadcast %jit3A_86 : f32 to vector<16xf32>
      %min3A_90 = arith.minimumf %min3A_89, %max3A_88 : vector<16xf32>
      %convert_element_type3A_91 = arith.fptosi %min3A_90 : vector<16xf32> to vector<16xi32>
      %convert_element_type3A_92 = arith.sitofp %convert_element_type3A : vector<16xi32> to vector<16xf32>
      %sub3A_93 = arith.subf %get3A_39, %convert_element_type3A_92 : vector<16xf32>
      %convert_element_type3A_94 = arith.sitofp %convert_element_type3A_84 : vector<16xi32> to vector<16xf32>
      %sub3A_95 = arith.subf %get3A_43, %convert_element_type3A_94 : vector<16xf32>
      %convert_element_type3A_96 = arith.sitofp %convert_element_type3A_91 : vector<16xi32> to vector<16xf32>
      %sub3A_97 = arith.subf %get3A_47, %convert_element_type3A_96 : vector<16xf32>
      %sub3A_98 = arith.constant 1.000000e+00 : f32
      %sub3A_99 = vector.broadcast %sub3A_98 : f32 to vector<16xf32>
      %sub3A_100 = arith.subf %sub3A_93, %sub3A_99 : vector<16xf32>
      %abs3A = math.absf %sub3A_100 : vector<16xf32>
      %mul3A_101 = arith.mulf %abs3A, %select_n3A_73 : vector<16xf32>
      %abs3A_102 = math.absf %sub3A_93 : vector<16xf32>
      %mul3A_103 = arith.mulf %abs3A_102, %select_n3A_73 : vector<16xf32>
      %sub3A_104 = arith.constant 1.000000e+00 : f32
      %sub3A_105 = vector.broadcast %sub3A_104 : f32 to vector<16xf32>
      %sub3A_106 = arith.subf %sub3A_95, %sub3A_105 : vector<16xf32>
      %abs3A_107 = math.absf %sub3A_106 : vector<16xf32>
      %abs3A_108 = math.absf %sub3A_95 : vector<16xf32>
      %sub3A_109 = arith.constant 1.000000e+00 : f32
      %sub3A_110 = vector.broadcast %sub3A_109 : f32 to vector<16xf32>
      %sub3A_111 = arith.subf %sub3A_97, %sub3A_110 : vector<16xf32>
      %abs3A_112 = math.absf %sub3A_111 : vector<16xf32>
      %abs3A_113 = math.absf %sub3A_97 : vector<16xf32>
      %mul3A_114 = arith.mulf %abs3A_107, %abs3A_112 : vector<16xf32>
      %mul3A_115 = arith.mulf %abs3A_107, %abs3A_113 : vector<16xf32>
      %mul3A_116 = arith.mulf %abs3A_108, %abs3A_112 : vector<16xf32>
      %mul3A_117 = arith.mulf %abs3A_108, %abs3A_113 : vector<16xf32>
      %mul3A_118 = arith.constant 96 : i32
      %mul3A_119 = vector.broadcast %mul3A_118 : i32 to vector<16xi32>
      %mul3A_120 = arith.muli %convert_element_type3A_84, %mul3A_119 : vector<16xi32>
      %add3A_121 = arith.addi %convert_element_type3A, %mul3A_120 : vector<16xi32>
      %mul3A_122 = arith.constant 9216 : i32
      %mul3A_123 = vector.broadcast %mul3A_122 : i32 to vector<16xi32>
      %mul3A_124 = arith.muli %convert_element_type3A_91, %mul3A_123 : vector<16xi32>
      %add3A_125 = arith.addi %mul3A_124, %broadcast_in_dim3A : vector<16xi32>
      %add3A_126 = arith.addi %add3A_121, %add3A_125 : vector<16xi32>
      %swap3A = arith.index_cast %mul3A_38 : i32 to index
      %swap3A_127 = tpu.vector_load %arg9[%swap3A] {strides = array<i32>} : memref<1536xi32, #tpu.memory_space<vmem>>, vector<16xi32>,
      tpu.vector_store %arg9[%swap3A], %add3A_126 {strides = array<i32>} : memref<1536xi32, #tpu.memory_space<vmem>>, vector<16xi32>,
      %mul3A_128 = arith.mulf %mul3A_101, %mul3A_114 : vector<16xf32>
      %add3A_129 = arith.constant 0 : i32
      %add3A_130 = arith.addi %add3A_129, %mul3A_38 : i32
      %swap3A_131 = arith.index_cast %add3A_130 : i32 to index
      %swap3A_132 = tpu.vector_load %arg11[%swap3A_131] {strides = array<i32>} : memref<12288xf32, #tpu.memory_space<vmem>>, vector<16xf32>,
      tpu.vector_store %arg11[%swap3A_131], %mul3A_128 {strides = array<i32>} : memref<12288xf32, #tpu.memory_space<vmem>>, vector<16xf32>,
      %mul3A_133 = arith.mulf %mul3A_101, %mul3A_115 : vector<16xf32>
      %add3A_134 = arith.constant 1536 : i32
      %add3A_135 = arith.addi %add3A_134, %mul3A_38 : i32
      %swap3A_136 = arith.index_cast %add3A_135 : i32 to index
      %swap3A_137 = tpu.vector_load %arg11[%swap3A_136] {strides = array<i32>} : memref<12288xf32, #tpu.memory_space<vmem>>, vector<16xf32>,
      tpu.vector_store %arg11[%swap3A_136], %mul3A_133 {strides = array<i32>} : memref<12288xf32, #tpu.memory_space<vmem>>, vector<16xf32>,
      %mul3A_138 = arith.mulf %mul3A_101, %mul3A_116 : vector<16xf32>
      %add3A_139 = arith.constant 3072 : i32
      %add3A_140 = arith.addi %add3A_139, %mul3A_38 : i32
      %swap3A_141 = arith.index_cast %add3A_140 : i32 to index
      %swap3A_142 = tpu.vector_load %arg11[%swap3A_141] {strides = array<i32>} : memref<12288xf32, #tpu.memory_space<vmem>>, vector<16xf32>,
      tpu.vector_store %arg11[%swap3A_141], %mul3A_138 {strides = array<i32>} : memref<12288xf32, #tpu.memory_space<vmem>>, vector<16xf32>,
      %mul3A_143 = arith.mulf %mul3A_101, %mul3A_117 : vector<16xf32>
      %add3A_144 = arith.constant 4608 : i32
      %add3A_145 = arith.addi %add3A_144, %mul3A_38 : i32
      %swap3A_146 = arith.index_cast %add3A_145 : i32 to index
      %swap3A_147 = tpu.vector_load %arg11[%swap3A_146] {strides = array<i32>} : memref<12288xf32, #tpu.memory_space<vmem>>, vector<16xf32>,
      tpu.vector_store %arg11[%swap3A_146], %mul3A_143 {strides = array<i32>} : memref<12288xf32, #tpu.memory_space<vmem>>, vector<16xf32>,
      %mul3A_148 = arith.mulf %mul3A_103, %mul3A_114 : vector<16xf32>
      %add3A_149 = arith.constant 6144 : i32
      %add3A_150 = arith.addi %add3A_149, %mul3A_38 : i32
      %swap3A_151 = arith.index_cast %add3A_150 : i32 to index
      %swap3A_152 = tpu.vector_load %arg11[%swap3A_151] {strides = array<i32>} : memref<12288xf32, #tpu.memory_space<vmem>>, vector<16xf32>,
      tpu.vector_store %arg11[%swap3A_151], %mul3A_148 {strides = array<i32>} : memref<12288xf32, #tpu.memory_space<vmem>>, vector<16xf32>,
      %mul3A_153 = arith.mulf %mul3A_103, %mul3A_115 : vector<16xf32>
      %add3A_154 = arith.constant 7680 : i32
      %add3A_155 = arith.addi %add3A_154, %mul3A_38 : i32
      %swap3A_156 = arith.index_cast %add3A_155 : i32 to index
      %swap3A_157 = tpu.vector_load %arg11[%swap3A_156] {strides = array<i32>} : memref<12288xf32, #tpu.memory_space<vmem>>, vector<16xf32>,
      tpu.vector_store %arg11[%swap3A_156], %mul3A_153 {strides = array<i32>} : memref<12288xf32, #tpu.memory_space<vmem>>, vector<16xf32>,
      %mul3A_158 = arith.mulf %mul3A_103, %mul3A_116 : vector<16xf32>
      %add3A_159 = arith.constant 9216 : i32
      %add3A_160 = arith.addi %add3A_159, %mul3A_38 : i32
      %swap3A_161 = arith.index_cast %add3A_160 : i32 to index
      %swap3A_162 = tpu.vector_load %arg11[%swap3A_161] {strides = array<i32>} : memref<12288xf32, #tpu.memory_space<vmem>>, vector<16xf32>,
      tpu.vector_store %arg11[%swap3A_161], %mul3A_158 {strides = array<i32>} : memref<12288xf32, #tpu.memory_space<vmem>>, vector<16xf32>,
      %mul3A_163 = arith.mulf %mul3A_103, %mul3A_117 : vector<16xf32>
      %add3A_164 = arith.constant 10752 : i32
      %add3A_165 = arith.addi %add3A_164, %mul3A_38 : i32
      %swap3A_166 = arith.index_cast %add3A_165 : i32 to index
      %swap3A_167 = tpu.vector_load %arg11[%swap3A_166] {strides = array<i32>} : memref<12288xf32, #tpu.memory_space<vmem>>, vector<16xf32>,
      tpu.vector_store %arg11[%swap3A_166], %mul3A_163 {strides = array<i32>} : memref<12288xf32, #tpu.memory_space<vmem>>, vector<16xf32>,
    }
    %scan3A_27 = arith.constant 96 : i32
    %dma_start3A = arith.constant 0 : i32
    %dma_start3A_28 = arith.constant 0 : i32
    %dma_start3A_29 = tpu.memref_slice %arg2[%dma_start3A, %dma_start3A_28] : memref<3538944x8xf32, #tpu.memory_space<hbm>> -> memref<3538944x8xf32, #tpu.memory_space<hbm>>
    tpu.enqueue_indirect_dma source(%dma_start3A_29 : memref<3538944x8xf32, #tpu.memory_space<hbm>>) target(%arg13 : memref<1536x8xf32, #tpu.memory_space<vmem>>) offsets(%arg9 : memref<1536xi32, #tpu.memory_space<vmem>>) semaphore(%arg16 : memref<!tpu.dma_semaphore, #tpu.memory_space<semaphore_mem>>)
    %scan3A_30 = arith.constant 0 : i32
    %scan3A_31 = arith.constant 0 : i32
    %scan3A_32 = arith.constant 36 : i32
    %scan3A_33 = arith.addi %scan3A_31, %scan3A_32 : i32
    %scan3A_34 = arith.constant 1 : i32
    scf.for %scan3A_36 = %scan3A_31 to %scan3A_33 step %scan3A_34  : i32 {
      %mul3A_37 = arith.constant 2 : i32
      %mul3A_38 = arith.muli %mul3A_37, %scan3A_36 : i32
      %add3A_39 = arith.constant 1 : i32
      %add3A_40 = arith.addi %mul3A_38, %add3A_39 : i32
      %mul3A_41 = arith.constant 110592 : i32
      %mul3A_42 = arith.muli %add3A, %mul3A_41 : i32
      %mul3A_43 = arith.constant 1536 : i32
      %mul3A_44 = arith.muli %add3A_40, %mul3A_43 : i32
      %add3A_45 = arith.addi %mul3A_42, %mul3A_44 : i32
      "tpu.region"() ({
        %run_scoped3A = tpu.sem_alloc : memref<!tpu.dma_semaphore, #tpu.memory_space<semaphore_mem>>
        %dma_start3A_88 = arith.constant 0 : i32
        %dma_start3A_89 = tpu.memref_slice %arg8[%dma_start3A_88] : memref<4608xf32, #tpu.memory_space<vmem>> -> memref<1536xf32, #tpu.memory_space<vmem>>
        %dma_start3A_90 = tpu.memref_slice %arg3[%add3A_45] : memref<3538944xf32, #tpu.memory_space<hbm>> -> memref<1536xf32, #tpu.memory_space<hbm>>
        %dma_start3A_91 = arith.constant 0 : i32
        %dma_start3A_92 = tpu.memref_slice %arg8[%dma_start3A_91] : memref<4608xf32, #tpu.memory_space<vmem>> -> memref<1536xf32, #tpu.memory_space<vmem>>
        %dma_start3A_93 = tpu.memref_slice %arg3[%add3A_45] : memref<3538944xf32, #tpu.memory_space<hbm>> -> memref<1536xf32, #tpu.memory_space<hbm>>
        tpu.enqueue_dma source(%dma_start3A_93 : memref<1536xf32, #tpu.memory_space<hbm>>) target(%dma_start3A_92 : memref<1536xf32, #tpu.memory_space<vmem>>) target_semaphore(%run_scoped3A : memref<!tpu.dma_semaphore, #tpu.memory_space<semaphore_mem>>)
        %dma_wait3A_94 = arith.constant 0 : i32
        %dma_wait3A_95 = tpu.memref_slice %arg8[%dma_wait3A_94] : memref<4608xf32, #tpu.memory_space<vmem>> -> memref<1536xf32, #tpu.memory_space<vmem>>
        %dma_wait3A_96 = tpu.memref_slice %arg3[%add3A_45] : memref<3538944xf32, #tpu.memory_space<hbm>> -> memref<1536xf32, #tpu.memory_space<hbm>>
        %dma_wait3A_97 = arith.constant 0 : i32
        %dma_wait3A_98 = tpu.memref_slice %arg8[%dma_wait3A_97] : memref<4608xf32, #tpu.memory_space<vmem>> -> memref<1536xf32, #tpu.memory_space<vmem>>
        %dma_wait3A_99 = tpu.memref_slice %arg3[%add3A_45] : memref<3538944xf32, #tpu.memory_space<hbm>> -> memref<1536xf32, #tpu.memory_space<hbm>>
        tpu.wait_dma2 semaphore(%run_scoped3A : memref<!tpu.dma_semaphore, #tpu.memory_space<semaphore_mem>>) src(%dma_wait3A_99 : memref<1536xf32, #tpu.memory_space<hbm>>) dst(%dma_wait3A_98 : memref<1536xf32, #tpu.memory_space<vmem>>)
        tpu.yield
      }) : () -> ()
      "tpu.region"() ({
        %run_scoped3A = tpu.sem_alloc : memref<!tpu.dma_semaphore, #tpu.memory_space<semaphore_mem>>
        %dma_start3A_88 = arith.constant 1536 : i32
        %dma_start3A_89 = tpu.memref_slice %arg8[%dma_start3A_88] : memref<4608xf32, #tpu.memory_space<vmem>> -> memref<1536xf32, #tpu.memory_space<vmem>>
        %dma_start3A_90 = tpu.memref_slice %arg4[%add3A_45] : memref<3538944xf32, #tpu.memory_space<hbm>> -> memref<1536xf32, #tpu.memory_space<hbm>>
        %dma_start3A_91 = arith.constant 1536 : i32
        %dma_start3A_92 = tpu.memref_slice %arg8[%dma_start3A_91] : memref<4608xf32, #tpu.memory_space<vmem>> -> memref<1536xf32, #tpu.memory_space<vmem>>
        %dma_start3A_93 = tpu.memref_slice %arg4[%add3A_45] : memref<3538944xf32, #tpu.memory_space<hbm>> -> memref<1536xf32, #tpu.memory_space<hbm>>
        tpu.enqueue_dma source(%dma_start3A_93 : memref<1536xf32, #tpu.memory_space<hbm>>) target(%dma_start3A_92 : memref<1536xf32, #tpu.memory_space<vmem>>) target_semaphore(%run_scoped3A : memref<!tpu.dma_semaphore, #tpu.memory_space<semaphore_mem>>)
        %dma_wait3A_94 = arith.constant 1536 : i32
        %dma_wait3A_95 = tpu.memref_slice %arg8[%dma_wait3A_94] : memref<4608xf32, #tpu.memory_space<vmem>> -> memref<1536xf32, #tpu.memory_space<vmem>>
        %dma_wait3A_96 = tpu.memref_slice %arg4[%add3A_45] : memref<3538944xf32, #tpu.memory_space<hbm>> -> memref<1536xf32, #tpu.memory_space<hbm>>
        %dma_wait3A_97 = arith.constant 1536 : i32
        %dma_wait3A_98 = tpu.memref_slice %arg8[%dma_wait3A_97] : memref<4608xf32, #tpu.memory_space<vmem>> -> memref<1536xf32, #tpu.memory_space<vmem>>
        %dma_wait3A_99 = tpu.memref_slice %arg4[%add3A_45] : memref<3538944xf32, #tpu.memory_space<hbm>> -> memref<1536xf32, #tpu.memory_space<hbm>>
        tpu.wait_dma2 semaphore(%run_scoped3A : memref<!tpu.dma_semaphore, #tpu.memory_space<semaphore_mem>>) src(%dma_wait3A_99 : memref<1536xf32, #tpu.memory_space<hbm>>) dst(%dma_wait3A_98 : memref<1536xf32, #tpu.memory_space<vmem>>)
        tpu.yield
      }) : () -> ()
      "tpu.region"() ({
        %run_scoped3A = tpu.sem_alloc : memref<!tpu.dma_semaphore, #tpu.memory_space<semaphore_mem>>
        %dma_start3A_88 = arith.constant 3072 : i32
        %dma_start3A_89 = tpu.memref_slice %arg8[%dma_start3A_88] : memref<4608xf32, #tpu.memory_space<vmem>> -> memref<1536xf32, #tpu.memory_space<vmem>>
        %dma_start3A_90 = tpu.memref_slice %arg5[%add3A_45] : memref<3538944xf32, #tpu.memory_space<hbm>> -> memref<1536xf32, #tpu.memory_space<hbm>>
        %dma_start3A_91 = arith.constant 3072 : i32
        %dma_start3A_92 = tpu.memref_slice %arg8[%dma_start3A_91] : memref<4608xf32, #tpu.memory_space<vmem>> -> memref<1536xf32, #tpu.memory_space<vmem>>
        %dma_start3A_93 = tpu.memref_slice %arg5[%add3A_45] : memref<3538944xf32, #tpu.memory_space<hbm>> -> memref<1536xf32, #tpu.memory_space<hbm>>
        tpu.enqueue_dma source(%dma_start3A_93 : memref<1536xf32, #tpu.memory_space<hbm>>) target(%dma_start3A_92 : memref<1536xf32, #tpu.memory_space<vmem>>) target_semaphore(%run_scoped3A : memref<!tpu.dma_semaphore, #tpu.memory_space<semaphore_mem>>)
        %dma_wait3A_94 = arith.constant 3072 : i32
        %dma_wait3A_95 = tpu.memref_slice %arg8[%dma_wait3A_94] : memref<4608xf32, #tpu.memory_space<vmem>> -> memref<1536xf32, #tpu.memory_space<vmem>>
        %dma_wait3A_96 = tpu.memref_slice %arg5[%add3A_45] : memref<3538944xf32, #tpu.memory_space<hbm>> -> memref<1536xf32, #tpu.memory_space<hbm>>
        %dma_wait3A_97 = arith.constant 3072 : i32
        %dma_wait3A_98 = tpu.memref_slice %arg8[%dma_wait3A_97] : memref<4608xf32, #tpu.memory_space<vmem>> -> memref<1536xf32, #tpu.memory_space<vmem>>
        %dma_wait3A_99 = tpu.memref_slice %arg5[%add3A_45] : memref<3538944xf32, #tpu.memory_space<hbm>> -> memref<1536xf32, #tpu.memory_space<hbm>>
        tpu.wait_dma2 semaphore(%run_scoped3A : memref<!tpu.dma_semaphore, #tpu.memory_space<semaphore_mem>>) src(%dma_wait3A_99 : memref<1536xf32, #tpu.memory_space<hbm>>) dst(%dma_wait3A_98 : memref<1536xf32, #tpu.memory_space<vmem>>)
        tpu.yield
      }) : () -> ()
      %scan3A_46 = arith.constant 0 : i32
      %scan3A_47 = arith.constant 0 : i32
      %scan3A_48 = arith.constant 96 : i32
      %scan3A_49 = arith.addi %scan3A_47, %scan3A_48 : i32
      %scan3A_50 = arith.constant 1 : i32
      scf.for %scan3A_88 = %scan3A_47 to %scan3A_49 step %scan3A_50  : i32 {
        %mul3A_89 = arith.constant 16 : i32
        %mul3A_90 = arith.muli %scan3A_88, %mul3A_89 : i32
        %get3A = arith.index_cast %mul3A_90 : i32 to index
        %get3A_91 = tpu.vector_load %arg8[%get3A] {strides = array<i32>} : memref<4608xf32, #tpu.memory_space<vmem>>, vector<16xf32>,
        %add3A_92 = arith.constant 1536 : i32
        %add3A_93 = arith.addi %add3A_92, %mul3A_90 : i32
        %get3A_94 = arith.index_cast %add3A_93 : i32 to index
        %get3A_95 = tpu.vector_load %arg8[%get3A_94] {strides = array<i32>} : memref<4608xf32, #tpu.memory_space<vmem>>, vector<16xf32>,
        %add3A_96 = arith.constant 3072 : i32
        %add3A_97 = arith.addi %add3A_96, %mul3A_90 : i32
        %get3A_98 = arith.index_cast %add3A_97 : i32 to index
        %get3A_99 = tpu.vector_load %arg8[%get3A_98] {strides = array<i32>} : memref<4608xf32, #tpu.memory_space<vmem>>, vector<16xf32>,
        %ge3A = arith.constant 0.000000e+00 : f32
        %ge3A_100 = vector.broadcast %ge3A : f32 to vector<16xf32>
        %ge3A_101 = arith.cmpf oge, %get3A_91, %ge3A_100 : vector<16xf32>
        %le3A = arith.constant 9.500000e+01 : f32
        %le3A_102 = vector.broadcast %le3A : f32 to vector<16xf32>
        %le3A_103 = arith.cmpf ole, %get3A_91, %le3A_102 : vector<16xf32>
        %and3A_104 = arith.andi %ge3A_101, %le3A_103 : vector<16xi1>
        %ge3A_105 = arith.constant 0.000000e+00 : f32
        %ge3A_106 = vector.broadcast %ge3A_105 : f32 to vector<16xf32>
        %ge3A_107 = arith.cmpf oge, %get3A_95, %ge3A_106 : vector<16xf32>
        %and3A_108 = arith.andi %and3A_104, %ge3A_107 : vector<16xi1>
        %le3A_109 = arith.constant 9.500000e+01 : f32
        %le3A_110 = vector.broadcast %le3A_109 : f32 to vector<16xf32>
        %le3A_111 = arith.cmpf ole, %get3A_95, %le3A_110 : vector<16xf32>
        %and3A_112 = arith.andi %and3A_108, %le3A_111 : vector<16xi1>
        %ge3A_113 = arith.constant 0.000000e+00 : f32
        %ge3A_114 = vector.broadcast %ge3A_113 : f32 to vector<16xf32>
        %ge3A_115 = arith.cmpf oge, %get3A_99, %ge3A_114 : vector<16xf32>
        %and3A_116 = arith.andi %and3A_112, %ge3A_115 : vector<16xi1>
        %le3A_117 = arith.constant 9.500000e+01 : f32
        %le3A_118 = vector.broadcast %le3A_117 : f32 to vector<16xf32>
        %le3A_119 = arith.cmpf ole, %get3A_99, %le3A_118 : vector<16xf32>
        %and3A_120 = arith.andi %and3A_116, %le3A_119 : vector<16xi1>
        %jit3A_121 = arith.constant 1.000000e+00 : f32
        %jit3A_122 = arith.constant 0.000000e+00 : f32
        %broadcast_in_dim3A_123 = vector.broadcast %jit3A_121 : f32 to vector<16xf32>
        %broadcast_in_dim3A_124 = vector.broadcast %jit3A_122 : f32 to vector<16xf32>
        %select_n3A_125 = arith.select %and3A_120, %broadcast_in_dim3A_123, %broadcast_in_dim3A_124 : vector<16xi1>, vector<16xf32>
        %jit3A_126 = arith.constant 0.000000e+00 : f32
        %jit3A_127 = arith.constant 9.500000e+01 : f32
        %max3A = vector.broadcast %jit3A_126 : f32 to vector<16xf32>
        %max3A_128 = arith.maximumf %max3A, %get3A_91 : vector<16xf32>
        %min3A = vector.broadcast %jit3A_127 : f32 to vector<16xf32>
        %min3A_129 = arith.minimumf %min3A, %max3A_128 : vector<16xf32>
        %convert_element_type3A_130 = arith.fptosi %min3A_129 : vector<16xf32> to vector<16xi32>
        %jit3A_131 = arith.constant 0.000000e+00 : f32
        %jit3A_132 = arith.constant 9.500000e+01 : f32
        %max3A_133 = vector.broadcast %jit3A_131 : f32 to vector<16xf32>
        %max3A_134 = arith.maximumf %max3A_133, %get3A_95 : vector<16xf32>
        %min3A_135 = vector.broadcast %jit3A_132 : f32 to vector<16xf32>
        %min3A_136 = arith.minimumf %min3A_135, %max3A_134 : vector<16xf32>
        %convert_element_type3A_137 = arith.fptosi %min3A_136 : vector<16xf32> to vector<16xi32>
        %jit3A_138 = arith.constant 0.000000e+00 : f32
        %jit3A_139 = arith.constant 9.500000e+01 : f32
        %max3A_140 = vector.broadcast %jit3A_138 : f32 to vector<16xf32>
        %max3A_141 = arith.maximumf %max3A_140, %get3A_99 : vector<16xf32>
        %min3A_142 = vector.broadcast %jit3A_139 : f32 to vector<16xf32>
        %min3A_143 = arith.minimumf %min3A_142, %max3A_141 : vector<16xf32>
        %convert_element_type3A_144 = arith.fptosi %min3A_143 : vector<16xf32> to vector<16xi32>
        %convert_element_type3A_145 = arith.sitofp %convert_element_type3A_130 : vector<16xi32> to vector<16xf32>
        %sub3A_146 = arith.subf %get3A_91, %convert_element_type3A_145 : vector<16xf32>
        %convert_element_type3A_147 = arith.sitofp %convert_element_type3A_137 : vector<16xi32> to vector<16xf32>
        %sub3A_148 = arith.subf %get3A_95, %convert_element_type3A_147 : vector<16xf32>
        %convert_element_type3A_149 = arith.sitofp %convert_element_type3A_144 : vector<16xi32> to vector<16xf32>
        %sub3A_150 = arith.subf %get3A_99, %convert_element_type3A_149 : vector<16xf32>
        %sub3A_151 = arith.constant 1.000000e+00 : f32
        %sub3A_152 = vector.broadcast %sub3A_151 : f32 to vector<16xf32>
        %sub3A_153 = arith.subf %sub3A_146, %sub3A_152 : vector<16xf32>
        %abs3A = math.absf %sub3A_153 : vector<16xf32>
        %mul3A_154 = arith.mulf %abs3A, %select_n3A_125 : vector<16xf32>
        %abs3A_155 = math.absf %sub3A_146 : vector<16xf32>
        %mul3A_156 = arith.mulf %abs3A_155, %select_n3A_125 : vector<16xf32>
        %sub3A_157 = arith.constant 1.000000e+00 : f32
        %sub3A_158 = vector.broadcast %sub3A_157 : f32 to vector<16xf32>
        %sub3A_159 = arith.subf %sub3A_148, %sub3A_158 : vector<16xf32>
        %abs3A_160 = math.absf %sub3A_159 : vector<16xf32>
        %abs3A_161 = math.absf %sub3A_148 : vector<16xf32>
        %sub3A_162 = arith.constant 1.000000e+00 : f32
        %sub3A_163 = vector.broadcast %sub3A_162 : f32 to vector<16xf32>
        %sub3A_164 = arith.subf %sub3A_150, %sub3A_163 : vector<16xf32>
        %abs3A_165 = math.absf %sub3A_164 : vector<16xf32>
        %abs3A_166 = math.absf %sub3A_150 : vector<16xf32>
        %mul3A_167 = arith.mulf %abs3A_160, %abs3A_165 : vector<16xf32>
        %mul3A_168 = arith.mulf %abs3A_160, %abs3A_166 : vector<16xf32>
        %mul3A_169 = arith.mulf %abs3A_161, %abs3A_165 : vector<16xf32>
        %mul3A_170 = arith.mulf %abs3A_161, %abs3A_166 : vector<16xf32>
        %mul3A_171 = arith.constant 96 : i32
        %mul3A_172 = vector.broadcast %mul3A_171 : i32 to vector<16xi32>
        %mul3A_173 = arith.muli %convert_element_type3A_137, %mul3A_172 : vector<16xi32>
        %add3A_174 = arith.addi %convert_element_type3A_130, %mul3A_173 : vector<16xi32>
        %mul3A_175 = arith.constant 9216 : i32
        %mul3A_176 = vector.broadcast %mul3A_175 : i32 to vector<16xi32>
        %mul3A_177 = arith.muli %convert_element_type3A_144, %mul3A_176 : vector<16xi32>
        %add3A_178 = arith.addi %mul3A_177, %broadcast_in_dim3A : vector<16xi32>
        %add3A_179 = arith.addi %add3A_174, %add3A_178 : vector<16xi32>
        %swap3A = arith.index_cast %mul3A_90 : i32 to index
        %swap3A_180 = tpu.vector_load %arg10[%swap3A] {strides = array<i32>} : memref<1536xi32, #tpu.memory_space<vmem>>, vector<16xi32>,
        tpu.vector_store %arg10[%swap3A], %add3A_179 {strides = array<i32>} : memref<1536xi32, #tpu.memory_space<vmem>>, vector<16xi32>,
        %mul3A_181 = arith.mulf %mul3A_154, %mul3A_167 : vector<16xf32>
        %add3A_182 = arith.constant 0 : i32
        %add3A_183 = arith.addi %add3A_182, %mul3A_90 : i32
        %swap3A_184 = arith.index_cast %add3A_183 : i32 to index
        %swap3A_185 = tpu.vector_load %arg12[%swap3A_184] {strides = array<i32>} : memref<12288xf32, #tpu.memory_space<vmem>>, vector<16xf32>,
        tpu.vector_store %arg12[%swap3A_184], %mul3A_181 {strides = array<i32>} : memref<12288xf32, #tpu.memory_space<vmem>>, vector<16xf32>,
        %mul3A_186 = arith.mulf %mul3A_154, %mul3A_168 : vector<16xf32>
        %add3A_187 = arith.constant 1536 : i32
        %add3A_188 = arith.addi %add3A_187, %mul3A_90 : i32
        %swap3A_189 = arith.index_cast %add3A_188 : i32 to index
        %swap3A_190 = tpu.vector_load %arg12[%swap3A_189] {strides = array<i32>} : memref<12288xf32, #tpu.memory_space<vmem>>, vector<16xf32>,
        tpu.vector_store %arg12[%swap3A_189], %mul3A_186 {strides = array<i32>} : memref<12288xf32, #tpu.memory_space<vmem>>, vector<16xf32>,
        %mul3A_191 = arith.mulf %mul3A_154, %mul3A_169 : vector<16xf32>
        %add3A_192 = arith.constant 3072 : i32
        %add3A_193 = arith.addi %add3A_192, %mul3A_90 : i32
        %swap3A_194 = arith.index_cast %add3A_193 : i32 to index
        %swap3A_195 = tpu.vector_load %arg12[%swap3A_194] {strides = array<i32>} : memref<12288xf32, #tpu.memory_space<vmem>>, vector<16xf32>,
        tpu.vector_store %arg12[%swap3A_194], %mul3A_191 {strides = array<i32>} : memref<12288xf32, #tpu.memory_space<vmem>>, vector<16xf32>,
        %mul3A_196 = arith.mulf %mul3A_154, %mul3A_170 : vector<16xf32>
        %add3A_197 = arith.constant 4608 : i32
        %add3A_198 = arith.addi %add3A_197, %mul3A_90 : i32
        %swap3A_199 = arith.index_cast %add3A_198 : i32 to index
        %swap3A_200 = tpu.vector_load %arg12[%swap3A_199] {strides = array<i32>} : memref<12288xf32, #tpu.memory_space<vmem>>, vector<16xf32>,
        tpu.vector_store %arg12[%swap3A_199], %mul3A_196 {strides = array<i32>} : memref<12288xf32, #tpu.memory_space<vmem>>, vector<16xf32>,
        %mul3A_201 = arith.mulf %mul3A_156, %mul3A_167 : vector<16xf32>
        %add3A_202 = arith.constant 6144 : i32
        %add3A_203 = arith.addi %add3A_202, %mul3A_90 : i32
        %swap3A_204 = arith.index_cast %add3A_203 : i32 to index
        %swap3A_205 = tpu.vector_load %arg12[%swap3A_204] {strides = array<i32>} : memref<12288xf32, #tpu.memory_space<vmem>>, vector<16xf32>,
        tpu.vector_store %arg12[%swap3A_204], %mul3A_201 {strides = array<i32>} : memref<12288xf32, #tpu.memory_space<vmem>>, vector<16xf32>,
        %mul3A_206 = arith.mulf %mul3A_156, %mul3A_168 : vector<16xf32>
        %add3A_207 = arith.constant 7680 : i32
        %add3A_208 = arith.addi %add3A_207, %mul3A_90 : i32
        %swap3A_209 = arith.index_cast %add3A_208 : i32 to index
        %swap3A_210 = tpu.vector_load %arg12[%swap3A_209] {strides = array<i32>} : memref<12288xf32, #tpu.memory_space<vmem>>, vector<16xf32>,
        tpu.vector_store %arg12[%swap3A_209], %mul3A_206 {strides = array<i32>} : memref<12288xf32, #tpu.memory_space<vmem>>, vector<16xf32>,
        %mul3A_211 = arith.mulf %mul3A_156, %mul3A_169 : vector<16xf32>
        %add3A_212 = arith.constant 9216 : i32
        %add3A_213 = arith.addi %add3A_212, %mul3A_90 : i32
        %swap3A_214 = arith.index_cast %add3A_213 : i32 to index
        %swap3A_215 = tpu.vector_load %arg12[%swap3A_214] {strides = array<i32>} : memref<12288xf32, #tpu.memory_space<vmem>>, vector<16xf32>,
        tpu.vector_store %arg12[%swap3A_214], %mul3A_211 {strides = array<i32>} : memref<12288xf32, #tpu.memory_space<vmem>>, vector<16xf32>,
        %mul3A_216 = arith.mulf %mul3A_156, %mul3A_170 : vector<16xf32>
        %add3A_217 = arith.constant 10752 : i32
        %add3A_218 = arith.addi %add3A_217, %mul3A_90 : i32
        %swap3A_219 = arith.index_cast %add3A_218 : i32 to index
        %swap3A_220 = tpu.vector_load %arg12[%swap3A_219] {strides = array<i32>} : memref<12288xf32, #tpu.memory_space<vmem>>, vector<16xf32>,
        tpu.vector_store %arg12[%swap3A_219], %mul3A_216 {strides = array<i32>} : memref<12288xf32, #tpu.memory_space<vmem>>, vector<16xf32>,
      }
      %scan3A_51 = arith.constant 96 : i32
      %dma_start3A_52 = arith.constant 0 : i32
      %dma_start3A_53 = arith.constant 0 : i32
      %dma_start3A_54 = tpu.memref_slice %arg2[%dma_start3A_52, %dma_start3A_53] : memref<3538944x8xf32, #tpu.memory_space<hbm>> -> memref<3538944x8xf32, #tpu.memory_space<hbm>>
      tpu.enqueue_indirect_dma source(%dma_start3A_54 : memref<3538944x8xf32, #tpu.memory_space<hbm>>) target(%arg14 : memref<1536x8xf32, #tpu.memory_space<vmem>>) offsets(%arg10 : memref<1536xi32, #tpu.memory_space<vmem>>) semaphore(%arg17 : memref<!tpu.dma_semaphore, #tpu.memory_space<semaphore_mem>>)
      %dma_wait3A = arith.constant 0 : i32
      %dma_wait3A_55 = arith.constant 0 : i32
      %dma_wait3A_56 = tpu.memref_slice %arg2[%dma_wait3A, %dma_wait3A_55] : memref<3538944x8xf32, #tpu.memory_space<hbm>> -> memref<3538944x8xf32, #tpu.memory_space<hbm>>
      tpu.wait_indirect_dma semaphore(%arg16 : memref<!tpu.dma_semaphore, #tpu.memory_space<semaphore_mem>>) src(%dma_wait3A_56 : memref<3538944x8xf32, #tpu.memory_space<hbm>>) dst(%arg13 : memref<1536x8xf32, #tpu.memory_space<vmem>>)
      %scan3A_57 = arith.constant 0 : i32
      %scan3A_58 = arith.constant 0 : i32
      %scan3A_59 = arith.constant 96 : i32
      %scan3A_60 = arith.addi %scan3A_58, %scan3A_59 : i32
      %scan3A_61 = arith.constant 1 : i32
      scf.for %scan3A_88 = %scan3A_58 to %scan3A_60 step %scan3A_61  : i32 {
        %mul3A_89 = arith.constant 16 : i32
        %mul3A_90 = arith.muli %scan3A_88, %mul3A_89 : i32
        %add3A_91 = vector.broadcast %mul3A_90 : i32 to vector<16xi32>
        %add3A_92 = arith.addi %iota3A, %add3A_91 : vector<16xi32>
        %broadcast_in_dim3A_93 = arith.constant 0 : i32
        %broadcast_in_dim3A_94 = vector.broadcast %broadcast_in_dim3A_93 : i32 to vector<16xi32>
        %gather3A = tpu.vector_load_idx %arg13[%add3A_92, %broadcast_in_dim3A_94] : memref<1536x8xf32, #tpu.memory_space<vmem>>[vector<16xi32>, vector<16xi32>], vector<16xf32>,
        %add3A_95 = arith.constant 0 : i32
        %add3A_96 = arith.addi %add3A_95, %mul3A_90 : i32
        %get3A = arith.index_cast %add3A_96 : i32 to index
        %get3A_97 = tpu.vector_load %arg11[%get3A] {strides = array<i32>} : memref<12288xf32, #tpu.memory_space<vmem>>, vector<16xf32>,
        %mul3A_98 = arith.mulf %get3A_97, %gather3A : vector<16xf32>
        %broadcast_in_dim3A_99 = arith.constant 4 : i32
        %broadcast_in_dim3A_100 = vector.broadcast %broadcast_in_dim3A_99 : i32 to vector<16xi32>
        %gather3A_101 = tpu.vector_load_idx %arg13[%add3A_92, %broadcast_in_dim3A_100] : memref<1536x8xf32, #tpu.memory_space<vmem>>[vector<16xi32>, vector<16xi32>], vector<16xf32>,
        %add3A_102 = arith.constant 1536 : i32
        %add3A_103 = arith.addi %add3A_102, %mul3A_90 : i32
        %get3A_104 = arith.index_cast %add3A_103 : i32 to index
        %get3A_105 = tpu.vector_load %arg11[%get3A_104] {strides = array<i32>} : memref<12288xf32, #tpu.memory_space<vmem>>, vector<16xf32>,
        %mul3A_106 = arith.mulf %get3A_105, %gather3A_101 : vector<16xf32>
        %add3A_107 = arith.addf %mul3A_98, %mul3A_106 : vector<16xf32>
        %broadcast_in_dim3A_108 = arith.constant 2 : i32
        %broadcast_in_dim3A_109 = vector.broadcast %broadcast_in_dim3A_108 : i32 to vector<16xi32>
        %gather3A_110 = tpu.vector_load_idx %arg13[%add3A_92, %broadcast_in_dim3A_109] : memref<1536x8xf32, #tpu.memory_space<vmem>>[vector<16xi32>, vector<16xi32>], vector<16xf32>,
        %add3A_111 = arith.constant 3072 : i32
        %add3A_112 = arith.addi %add3A_111, %mul3A_90 : i32
        %get3A_113 = arith.index_cast %add3A_112 : i32 to index
        %get3A_114 = tpu.vector_load %arg11[%get3A_113] {strides = array<i32>} : memref<12288xf32, #tpu.memory_space<vmem>>, vector<16xf32>,
        %mul3A_115 = arith.mulf %get3A_114, %gather3A_110 : vector<16xf32>
        %add3A_116 = arith.addf %add3A_107, %mul3A_115 : vector<16xf32>
        %broadcast_in_dim3A_117 = arith.constant 6 : i32
        %broadcast_in_dim3A_118 = vector.broadcast %broadcast_in_dim3A_117 : i32 to vector<16xi32>
        %gather3A_119 = tpu.vector_load_idx %arg13[%add3A_92, %broadcast_in_dim3A_118] : memref<1536x8xf32, #tpu.memory_space<vmem>>[vector<16xi32>, vector<16xi32>], vector<16xf32>,
        %add3A_120 = arith.constant 4608 : i32
        %add3A_121 = arith.addi %add3A_120, %mul3A_90 : i32
        %get3A_122 = arith.index_cast %add3A_121 : i32 to index
        %get3A_123 = tpu.vector_load %arg11[%get3A_122] {strides = array<i32>} : memref<12288xf32, #tpu.memory_space<vmem>>, vector<16xf32>,
        %mul3A_124 = arith.mulf %get3A_123, %gather3A_119 : vector<16xf32>
        %add3A_125 = arith.addf %add3A_116, %mul3A_124 : vector<16xf32>
        %broadcast_in_dim3A_126 = arith.constant 1 : i32
        %broadcast_in_dim3A_127 = vector.broadcast %broadcast_in_dim3A_126 : i32 to vector<16xi32>
        %gather3A_128 = tpu.vector_load_idx %arg13[%add3A_92, %broadcast_in_dim3A_127] : memref<1536x8xf32, #tpu.memory_space<vmem>>[vector<16xi32>, vector<16xi32>], vector<16xf32>,
        %add3A_129 = arith.constant 6144 : i32
        %add3A_130 = arith.addi %add3A_129, %mul3A_90 : i32
        %get3A_131 = arith.index_cast %add3A_130 : i32 to index
        %get3A_132 = tpu.vector_load %arg11[%get3A_131] {strides = array<i32>} : memref<12288xf32, #tpu.memory_space<vmem>>, vector<16xf32>,
        %mul3A_133 = arith.mulf %get3A_132, %gather3A_128 : vector<16xf32>
        %add3A_134 = arith.addf %add3A_125, %mul3A_133 : vector<16xf32>
        %broadcast_in_dim3A_135 = arith.constant 5 : i32
        %broadcast_in_dim3A_136 = vector.broadcast %broadcast_in_dim3A_135 : i32 to vector<16xi32>
        %gather3A_137 = tpu.vector_load_idx %arg13[%add3A_92, %broadcast_in_dim3A_136] : memref<1536x8xf32, #tpu.memory_space<vmem>>[vector<16xi32>, vector<16xi32>], vector<16xf32>,
        %add3A_138 = arith.constant 7680 : i32
        %add3A_139 = arith.addi %add3A_138, %mul3A_90 : i32
        %get3A_140 = arith.index_cast %add3A_139 : i32 to index
        %get3A_141 = tpu.vector_load %arg11[%get3A_140] {strides = array<i32>} : memref<12288xf32, #tpu.memory_space<vmem>>, vector<16xf32>,
        %mul3A_142 = arith.mulf %get3A_141, %gather3A_137 : vector<16xf32>
        %add3A_143 = arith.addf %add3A_134, %mul3A_142 : vector<16xf32>
        %broadcast_in_dim3A_144 = arith.constant 3 : i32
        %broadcast_in_dim3A_145 = vector.broadcast %broadcast_in_dim3A_144 : i32 to vector<16xi32>
        %gather3A_146 = tpu.vector_load_idx %arg13[%add3A_92, %broadcast_in_dim3A_145] : memref<1536x8xf32, #tpu.memory_space<vmem>>[vector<16xi32>, vector<16xi32>], vector<16xf32>,
        %add3A_147 = arith.constant 9216 : i32
        %add3A_148 = arith.addi %add3A_147, %mul3A_90 : i32
        %get3A_149 = arith.index_cast %add3A_148 : i32 to index
        %get3A_150 = tpu.vector_load %arg11[%get3A_149] {strides = array<i32>} : memref<12288xf32, #tpu.memory_space<vmem>>, vector<16xf32>,
        %mul3A_151 = arith.mulf %get3A_150, %gather3A_146 : vector<16xf32>
        %add3A_152 = arith.addf %add3A_143, %mul3A_151 : vector<16xf32>
        %broadcast_in_dim3A_153 = arith.constant 7 : i32
        %broadcast_in_dim3A_154 = vector.broadcast %broadcast_in_dim3A_153 : i32 to vector<16xi32>
        %gather3A_155 = tpu.vector_load_idx %arg13[%add3A_92, %broadcast_in_dim3A_154] : memref<1536x8xf32, #tpu.memory_space<vmem>>[vector<16xi32>, vector<16xi32>], vector<16xf32>,
        %add3A_156 = arith.constant 10752 : i32
        %add3A_157 = arith.addi %add3A_156, %mul3A_90 : i32
        %get3A_158 = arith.index_cast %add3A_157 : i32 to index
        %get3A_159 = tpu.vector_load %arg11[%get3A_158] {strides = array<i32>} : memref<12288xf32, #tpu.memory_space<vmem>>, vector<16xf32>,
        %mul3A_160 = arith.mulf %get3A_159, %gather3A_155 : vector<16xf32>
        %add3A_161 = arith.addf %add3A_152, %mul3A_160 : vector<16xf32>
        %swap3A = arith.index_cast %mul3A_90 : i32 to index
        %swap3A_162 = tpu.vector_load %arg15[%swap3A] {strides = array<i32>} : memref<1536xf32, #tpu.memory_space<vmem>>, vector<16xf32>,
        tpu.vector_store %arg15[%swap3A], %add3A_161 {strides = array<i32>} : memref<1536xf32, #tpu.memory_space<vmem>>, vector<16xf32>,
      }
      %scan3A_62 = arith.constant 96 : i32
      %mul3A_63 = arith.constant 110592 : i32
      %mul3A_64 = arith.muli %add3A, %mul3A_63 : i32
      %mul3A_65 = arith.constant 1536 : i32
      %mul3A_66 = arith.muli %mul3A_38, %mul3A_65 : i32
      %add3A_67 = arith.addi %mul3A_64, %mul3A_66 : i32
      "tpu.region"() ({
        %run_scoped3A = tpu.sem_alloc : memref<!tpu.dma_semaphore, #tpu.memory_space<semaphore_mem>>
        %dma_start3A_88 = tpu.memref_slice %arg6[%add3A_67] : memref<3538944xf32, #tpu.memory_space<hbm>> -> memref<1536xf32, #tpu.memory_space<hbm>>
        %dma_start3A_89 = tpu.memref_slice %arg6[%add3A_67] : memref<3538944xf32, #tpu.memory_space<hbm>> -> memref<1536xf32, #tpu.memory_space<hbm>>
        tpu.enqueue_dma source(%arg15 : memref<1536xf32, #tpu.memory_space<vmem>>) target(%dma_start3A_89 : memref<1536xf32, #tpu.memory_space<hbm>>) target_semaphore(%run_scoped3A : memref<!tpu.dma_semaphore, #tpu.memory_space<semaphore_mem>>)
        %dma_wait3A_90 = tpu.memref_slice %arg6[%add3A_67] : memref<3538944xf32, #tpu.memory_space<hbm>> -> memref<1536xf32, #tpu.memory_space<hbm>>
        %dma_wait3A_91 = tpu.memref_slice %arg6[%add3A_67] : memref<3538944xf32, #tpu.memory_space<hbm>> -> memref<1536xf32, #tpu.memory_space<hbm>>
        tpu.wait_dma2 semaphore(%run_scoped3A : memref<!tpu.dma_semaphore, #tpu.memory_space<semaphore_mem>>) src(%arg15 : memref<1536xf32, #tpu.memory_space<vmem>>) dst(%dma_wait3A_91 : memref<1536xf32, #tpu.memory_space<hbm>>)
        tpu.yield
      }) : () -> ()
      %add3A_68 = arith.constant 2 : i32
      %add3A_69 = arith.addi %mul3A_38, %add3A_68 : i32
      %lt3A = arith.constant 72 : i32
      %lt3A_70 = arith.cmpi slt, %add3A_69, %lt3A : i32
      %convert_element_type3A = arith.extui %lt3A_70 : i1 to i32
      %cond3A = arith.constant 0 : i32
      %cond3A_71 = arith.cmpi ne, %convert_element_type3A, %cond3A : i32
      scf.if %cond3A_71 {
        %add3A_88 = arith.constant 2 : i32
        %add3A_89 = arith.addi %mul3A_38, %add3A_88 : i32
        %mul3A_90 = arith.constant 110592 : i32
        %mul3A_91 = arith.muli %add3A, %mul3A_90 : i32
        %mul3A_92 = arith.constant 1536 : i32
        %mul3A_93 = arith.muli %add3A_89, %mul3A_92 : i32
        %add3A_94 = arith.addi %mul3A_91, %mul3A_93 : i32
        "tpu.region"() ({
          %run_scoped3A = tpu.sem_alloc : memref<!tpu.dma_semaphore, #tpu.memory_space<semaphore_mem>>
          %dma_start3A_104 = arith.constant 0 : i32
          %dma_start3A_105 = tpu.memref_slice %arg7[%dma_start3A_104] : memref<4608xf32, #tpu.memory_space<vmem>> -> memref<1536xf32, #tpu.memory_space<vmem>>
          %dma_start3A_106 = tpu.memref_slice %arg3[%add3A_94] : memref<3538944xf32, #tpu.memory_space<hbm>> -> memref<1536xf32, #tpu.memory_space<hbm>>
          %dma_start3A_107 = arith.constant 0 : i32
          %dma_start3A_108 = tpu.memref_slice %arg7[%dma_start3A_107] : memref<4608xf32, #tpu.memory_space<vmem>> -> memref<1536xf32, #tpu.memory_space<vmem>>
          %dma_start3A_109 = tpu.memref_slice %arg3[%add3A_94] : memref<3538944xf32, #tpu.memory_space<hbm>> -> memref<1536xf32, #tpu.memory_space<hbm>>
          tpu.enqueue_dma source(%dma_start3A_109 : memref<1536xf32, #tpu.memory_space<hbm>>) target(%dma_start3A_108 : memref<1536xf32, #tpu.memory_space<vmem>>) target_semaphore(%run_scoped3A : memref<!tpu.dma_semaphore, #tpu.memory_space<semaphore_mem>>)
          %dma_wait3A_110 = arith.constant 0 : i32
          %dma_wait3A_111 = tpu.memref_slice %arg7[%dma_wait3A_110] : memref<4608xf32, #tpu.memory_space<vmem>> -> memref<1536xf32, #tpu.memory_space<vmem>>
          %dma_wait3A_112 = tpu.memref_slice %arg3[%add3A_94] : memref<3538944xf32, #tpu.memory_space<hbm>> -> memref<1536xf32, #tpu.memory_space<hbm>>
          %dma_wait3A_113 = arith.constant 0 : i32
          %dma_wait3A_114 = tpu.memref_slice %arg7[%dma_wait3A_113] : memref<4608xf32, #tpu.memory_space<vmem>> -> memref<1536xf32, #tpu.memory_space<vmem>>
          %dma_wait3A_115 = tpu.memref_slice %arg3[%add3A_94] : memref<3538944xf32, #tpu.memory_space<hbm>> -> memref<1536xf32, #tpu.memory_space<hbm>>
          tpu.wait_dma2 semaphore(%run_scoped3A : memref<!tpu.dma_semaphore, #tpu.memory_space<semaphore_mem>>) src(%dma_wait3A_115 : memref<1536xf32, #tpu.memory_space<hbm>>) dst(%dma_wait3A_114 : memref<1536xf32, #tpu.memory_space<vmem>>)
          tpu.yield
        }) : () -> ()
        "tpu.region"() ({
          %run_scoped3A = tpu.sem_alloc : memref<!tpu.dma_semaphore, #tpu.memory_space<semaphore_mem>>
          %dma_start3A_104 = arith.constant 1536 : i32
          %dma_start3A_105 = tpu.memref_slice %arg7[%dma_start3A_104] : memref<4608xf32, #tpu.memory_space<vmem>> -> memref<1536xf32, #tpu.memory_space<vmem>>
          %dma_start3A_106 = tpu.memref_slice %arg4[%add3A_94] : memref<3538944xf32, #tpu.memory_space<hbm>> -> memref<1536xf32, #tpu.memory_space<hbm>>
          %dma_start3A_107 = arith.constant 1536 : i32
          %dma_start3A_108 = tpu.memref_slice %arg7[%dma_start3A_107] : memref<4608xf32, #tpu.memory_space<vmem>> -> memref<1536xf32, #tpu.memory_space<vmem>>
          %dma_start3A_109 = tpu.memref_slice %arg4[%add3A_94] : memref<3538944xf32, #tpu.memory_space<hbm>> -> memref<1536xf32, #tpu.memory_space<hbm>>
          tpu.enqueue_dma source(%dma_start3A_109 : memref<1536xf32, #tpu.memory_space<hbm>>) target(%dma_start3A_108 : memref<1536xf32, #tpu.memory_space<vmem>>) target_semaphore(%run_scoped3A : memref<!tpu.dma_semaphore, #tpu.memory_space<semaphore_mem>>)
          %dma_wait3A_110 = arith.constant 1536 : i32
          %dma_wait3A_111 = tpu.memref_slice %arg7[%dma_wait3A_110] : memref<4608xf32, #tpu.memory_space<vmem>> -> memref<1536xf32, #tpu.memory_space<vmem>>
          %dma_wait3A_112 = tpu.memref_slice %arg4[%add3A_94] : memref<3538944xf32, #tpu.memory_space<hbm>> -> memref<1536xf32, #tpu.memory_space<hbm>>
          %dma_wait3A_113 = arith.constant 1536 : i32
          %dma_wait3A_114 = tpu.memref_slice %arg7[%dma_wait3A_113] : memref<4608xf32, #tpu.memory_space<vmem>> -> memref<1536xf32, #tpu.memory_space<vmem>>
          %dma_wait3A_115 = tpu.memref_slice %arg4[%add3A_94] : memref<3538944xf32, #tpu.memory_space<hbm>> -> memref<1536xf32, #tpu.memory_space<hbm>>
          tpu.wait_dma2 semaphore(%run_scoped3A : memref<!tpu.dma_semaphore, #tpu.memory_space<semaphore_mem>>) src(%dma_wait3A_115 : memref<1536xf32, #tpu.memory_space<hbm>>) dst(%dma_wait3A_114 : memref<1536xf32, #tpu.memory_space<vmem>>)
          tpu.yield
        }) : () -> ()
        "tpu.region"() ({
          %run_scoped3A = tpu.sem_alloc : memref<!tpu.dma_semaphore, #tpu.memory_space<semaphore_mem>>
          %dma_start3A_104 = arith.constant 3072 : i32
          %dma_start3A_105 = tpu.memref_slice %arg7[%dma_start3A_104] : memref<4608xf32, #tpu.memory_space<vmem>> -> memref<1536xf32, #tpu.memory_space<vmem>>
          %dma_start3A_106 = tpu.memref_slice %arg5[%add3A_94] : memref<3538944xf32, #tpu.memory_space<hbm>> -> memref<1536xf32, #tpu.memory_space<hbm>>
          %dma_start3A_107 = arith.constant 3072 : i32
          %dma_start3A_108 = tpu.memref_slice %arg7[%dma_start3A_107] : memref<4608xf32, #tpu.memory_space<vmem>> -> memref<1536xf32, #tpu.memory_space<vmem>>
          %dma_start3A_109 = tpu.memref_slice %arg5[%add3A_94] : memref<3538944xf32, #tpu.memory_space<hbm>> -> memref<1536xf32, #tpu.memory_space<hbm>>
          tpu.enqueue_dma source(%dma_start3A_109 : memref<1536xf32, #tpu.memory_space<hbm>>) target(%dma_start3A_108 : memref<1536xf32, #tpu.memory_space<vmem>>) target_semaphore(%run_scoped3A : memref<!tpu.dma_semaphore, #tpu.memory_space<semaphore_mem>>)
          %dma_wait3A_110 = arith.constant 3072 : i32
          %dma_wait3A_111 = tpu.memref_slice %arg7[%dma_wait3A_110] : memref<4608xf32, #tpu.memory_space<vmem>> -> memref<1536xf32, #tpu.memory_space<vmem>>
          %dma_wait3A_112 = tpu.memref_slice %arg5[%add3A_94] : memref<3538944xf32, #tpu.memory_space<hbm>> -> memref<1536xf32, #tpu.memory_space<hbm>>
          %dma_wait3A_113 = arith.constant 3072 : i32
          %dma_wait3A_114 = tpu.memref_slice %arg7[%dma_wait3A_113] : memref<4608xf32, #tpu.memory_space<vmem>> -> memref<1536xf32, #tpu.memory_space<vmem>>
          %dma_wait3A_115 = tpu.memref_slice %arg5[%add3A_94] : memref<3538944xf32, #tpu.memory_space<hbm>> -> memref<1536xf32, #tpu.memory_space<hbm>>
          tpu.wait_dma2 semaphore(%run_scoped3A : memref<!tpu.dma_semaphore, #tpu.memory_space<semaphore_mem>>) src(%dma_wait3A_115 : memref<1536xf32, #tpu.memory_space<hbm>>) dst(%dma_wait3A_114 : memref<1536xf32, #tpu.memory_space<vmem>>)
          tpu.yield
        }) : () -> ()
        %scan3A_95 = arith.constant 0 : i32
        %scan3A_96 = arith.constant 0 : i32
        %scan3A_97 = arith.constant 96 : i32
        %scan3A_98 = arith.addi %scan3A_96, %scan3A_97 : i32
        %scan3A_99 = arith.constant 1 : i32
        scf.for %scan3A_104 = %scan3A_96 to %scan3A_98 step %scan3A_99  : i32 {
          %mul3A_105 = arith.constant 16 : i32
          %mul3A_106 = arith.muli %scan3A_104, %mul3A_105 : i32
          %get3A = arith.index_cast %mul3A_106 : i32 to index
          %get3A_107 = tpu.vector_load %arg7[%get3A] {strides = array<i32>} : memref<4608xf32, #tpu.memory_space<vmem>>, vector<16xf32>,
          %add3A_108 = arith.constant 1536 : i32
          %add3A_109 = arith.addi %add3A_108, %mul3A_106 : i32
          %get3A_110 = arith.index_cast %add3A_109 : i32 to index
          %get3A_111 = tpu.vector_load %arg7[%get3A_110] {strides = array<i32>} : memref<4608xf32, #tpu.memory_space<vmem>>, vector<16xf32>,
          %add3A_112 = arith.constant 3072 : i32
          %add3A_113 = arith.addi %add3A_112, %mul3A_106 : i32
          %get3A_114 = arith.index_cast %add3A_113 : i32 to index
          %get3A_115 = tpu.vector_load %arg7[%get3A_114] {strides = array<i32>} : memref<4608xf32, #tpu.memory_space<vmem>>, vector<16xf32>,
          %ge3A = arith.constant 0.000000e+00 : f32
          %ge3A_116 = vector.broadcast %ge3A : f32 to vector<16xf32>
          %ge3A_117 = arith.cmpf oge, %get3A_107, %ge3A_116 : vector<16xf32>
          %le3A = arith.constant 9.500000e+01 : f32
          %le3A_118 = vector.broadcast %le3A : f32 to vector<16xf32>
          %le3A_119 = arith.cmpf ole, %get3A_107, %le3A_118 : vector<16xf32>
          %and3A_120 = arith.andi %ge3A_117, %le3A_119 : vector<16xi1>
          %ge3A_121 = arith.constant 0.000000e+00 : f32
          %ge3A_122 = vector.broadcast %ge3A_121 : f32 to vector<16xf32>
          %ge3A_123 = arith.cmpf oge, %get3A_111, %ge3A_122 : vector<16xf32>
          %and3A_124 = arith.andi %and3A_120, %ge3A_123 : vector<16xi1>
          %le3A_125 = arith.constant 9.500000e+01 : f32
          %le3A_126 = vector.broadcast %le3A_125 : f32 to vector<16xf32>
          %le3A_127 = arith.cmpf ole, %get3A_111, %le3A_126 : vector<16xf32>
          %and3A_128 = arith.andi %and3A_124, %le3A_127 : vector<16xi1>
          %ge3A_129 = arith.constant 0.000000e+00 : f32
          %ge3A_130 = vector.broadcast %ge3A_129 : f32 to vector<16xf32>
          %ge3A_131 = arith.cmpf oge, %get3A_115, %ge3A_130 : vector<16xf32>
          %and3A_132 = arith.andi %and3A_128, %ge3A_131 : vector<16xi1>
          %le3A_133 = arith.constant 9.500000e+01 : f32
          %le3A_134 = vector.broadcast %le3A_133 : f32 to vector<16xf32>
          %le3A_135 = arith.cmpf ole, %get3A_115, %le3A_134 : vector<16xf32>
          %and3A_136 = arith.andi %and3A_132, %le3A_135 : vector<16xi1>
          %jit3A_137 = arith.constant 1.000000e+00 : f32
          %jit3A_138 = arith.constant 0.000000e+00 : f32
          %broadcast_in_dim3A_139 = vector.broadcast %jit3A_137 : f32 to vector<16xf32>
          %broadcast_in_dim3A_140 = vector.broadcast %jit3A_138 : f32 to vector<16xf32>
          %select_n3A_141 = arith.select %and3A_136, %broadcast_in_dim3A_139, %broadcast_in_dim3A_140 : vector<16xi1>, vector<16xf32>
          %jit3A_142 = arith.constant 0.000000e+00 : f32
          %jit3A_143 = arith.constant 9.500000e+01 : f32
          %max3A = vector.broadcast %jit3A_142 : f32 to vector<16xf32>
          %max3A_144 = arith.maximumf %max3A, %get3A_107 : vector<16xf32>
          %min3A = vector.broadcast %jit3A_143 : f32 to vector<16xf32>
          %min3A_145 = arith.minimumf %min3A, %max3A_144 : vector<16xf32>
          %convert_element_type3A_146 = arith.fptosi %min3A_145 : vector<16xf32> to vector<16xi32>
          %jit3A_147 = arith.constant 0.000000e+00 : f32
          %jit3A_148 = arith.constant 9.500000e+01 : f32
          %max3A_149 = vector.broadcast %jit3A_147 : f32 to vector<16xf32>
          %max3A_150 = arith.maximumf %max3A_149, %get3A_111 : vector<16xf32>
          %min3A_151 = vector.broadcast %jit3A_148 : f32 to vector<16xf32>
          %min3A_152 = arith.minimumf %min3A_151, %max3A_150 : vector<16xf32>
          %convert_element_type3A_153 = arith.fptosi %min3A_152 : vector<16xf32> to vector<16xi32>
          %jit3A_154 = arith.constant 0.000000e+00 : f32
          %jit3A_155 = arith.constant 9.500000e+01 : f32
          %max3A_156 = vector.broadcast %jit3A_154 : f32 to vector<16xf32>
          %max3A_157 = arith.maximumf %max3A_156, %get3A_115 : vector<16xf32>
          %min3A_158 = vector.broadcast %jit3A_155 : f32 to vector<16xf32>
          %min3A_159 = arith.minimumf %min3A_158, %max3A_157 : vector<16xf32>
          %convert_element_type3A_160 = arith.fptosi %min3A_159 : vector<16xf32> to vector<16xi32>
          %convert_element_type3A_161 = arith.sitofp %convert_element_type3A_146 : vector<16xi32> to vector<16xf32>
          %sub3A_162 = arith.subf %get3A_107, %convert_element_type3A_161 : vector<16xf32>
          %convert_element_type3A_163 = arith.sitofp %convert_element_type3A_153 : vector<16xi32> to vector<16xf32>
          %sub3A_164 = arith.subf %get3A_111, %convert_element_type3A_163 : vector<16xf32>
          %convert_element_type3A_165 = arith.sitofp %convert_element_type3A_160 : vector<16xi32> to vector<16xf32>
          %sub3A_166 = arith.subf %get3A_115, %convert_element_type3A_165 : vector<16xf32>
          %sub3A_167 = arith.constant 1.000000e+00 : f32
          %sub3A_168 = vector.broadcast %sub3A_167 : f32 to vector<16xf32>
          %sub3A_169 = arith.subf %sub3A_162, %sub3A_168 : vector<16xf32>
          %abs3A = math.absf %sub3A_169 : vector<16xf32>
          %mul3A_170 = arith.mulf %abs3A, %select_n3A_141 : vector<16xf32>
          %abs3A_171 = math.absf %sub3A_162 : vector<16xf32>
          %mul3A_172 = arith.mulf %abs3A_171, %select_n3A_141 : vector<16xf32>
          %sub3A_173 = arith.constant 1.000000e+00 : f32
          %sub3A_174 = vector.broadcast %sub3A_173 : f32 to vector<16xf32>
          %sub3A_175 = arith.subf %sub3A_164, %sub3A_174 : vector<16xf32>
          %abs3A_176 = math.absf %sub3A_175 : vector<16xf32>
          %abs3A_177 = math.absf %sub3A_164 : vector<16xf32>
          %sub3A_178 = arith.constant 1.000000e+00 : f32
          %sub3A_179 = vector.broadcast %sub3A_178 : f32 to vector<16xf32>
          %sub3A_180 = arith.subf %sub3A_166, %sub3A_179 : vector<16xf32>
          %abs3A_181 = math.absf %sub3A_180 : vector<16xf32>
          %abs3A_182 = math.absf %sub3A_166 : vector<16xf32>
          %mul3A_183 = arith.mulf %abs3A_176, %abs3A_181 : vector<16xf32>
          %mul3A_184 = arith.mulf %abs3A_176, %abs3A_182 : vector<16xf32>
          %mul3A_185 = arith.mulf %abs3A_177, %abs3A_181 : vector<16xf32>
          %mul3A_186 = arith.mulf %abs3A_177, %abs3A_182 : vector<16xf32>
          %mul3A_187 = arith.constant 96 : i32
          %mul3A_188 = vector.broadcast %mul3A_187 : i32 to vector<16xi32>
          %mul3A_189 = arith.muli %convert_element_type3A_153, %mul3A_188 : vector<16xi32>
          %add3A_190 = arith.addi %convert_element_type3A_146, %mul3A_189 : vector<16xi32>
          %mul3A_191 = arith.constant 9216 : i32
          %mul3A_192 = vector.broadcast %mul3A_191 : i32 to vector<16xi32>
          %mul3A_193 = arith.muli %convert_element_type3A_160, %mul3A_192 : vector<16xi32>
          %add3A_194 = arith.addi %mul3A_193, %broadcast_in_dim3A : vector<16xi32>
          %add3A_195 = arith.addi %add3A_190, %add3A_194 : vector<16xi32>
          %swap3A = arith.index_cast %mul3A_106 : i32 to index
          %swap3A_196 = tpu.vector_load %arg9[%swap3A] {strides = array<i32>} : memref<1536xi32, #tpu.memory_space<vmem>>, vector<16xi32>,
          tpu.vector_store %arg9[%swap3A], %add3A_195 {strides = array<i32>} : memref<1536xi32, #tpu.memory_space<vmem>>, vector<16xi32>,
          %mul3A_197 = arith.mulf %mul3A_170, %mul3A_183 : vector<16xf32>
          %add3A_198 = arith.constant 0 : i32
          %add3A_199 = arith.addi %add3A_198, %mul3A_106 : i32
          %swap3A_200 = arith.index_cast %add3A_199 : i32 to index
          %swap3A_201 = tpu.vector_load %arg11[%swap3A_200] {strides = array<i32>} : memref<12288xf32, #tpu.memory_space<vmem>>, vector<16xf32>,
          tpu.vector_store %arg11[%swap3A_200], %mul3A_197 {strides = array<i32>} : memref<12288xf32, #tpu.memory_space<vmem>>, vector<16xf32>,
          %mul3A_202 = arith.mulf %mul3A_170, %mul3A_184 : vector<16xf32>
          %add3A_203 = arith.constant 1536 : i32
          %add3A_204 = arith.addi %add3A_203, %mul3A_106 : i32
          %swap3A_205 = arith.index_cast %add3A_204 : i32 to index
          %swap3A_206 = tpu.vector_load %arg11[%swap3A_205] {strides = array<i32>} : memref<12288xf32, #tpu.memory_space<vmem>>, vector<16xf32>,
          tpu.vector_store %arg11[%swap3A_205], %mul3A_202 {strides = array<i32>} : memref<12288xf32, #tpu.memory_space<vmem>>, vector<16xf32>,
          %mul3A_207 = arith.mulf %mul3A_170, %mul3A_185 : vector<16xf32>
          %add3A_208 = arith.constant 3072 : i32
          %add3A_209 = arith.addi %add3A_208, %mul3A_106 : i32
          %swap3A_210 = arith.index_cast %add3A_209 : i32 to index
          %swap3A_211 = tpu.vector_load %arg11[%swap3A_210] {strides = array<i32>} : memref<12288xf32, #tpu.memory_space<vmem>>, vector<16xf32>,
          tpu.vector_store %arg11[%swap3A_210], %mul3A_207 {strides = array<i32>} : memref<12288xf32, #tpu.memory_space<vmem>>, vector<16xf32>,
          %mul3A_212 = arith.mulf %mul3A_170, %mul3A_186 : vector<16xf32>
          %add3A_213 = arith.constant 4608 : i32
          %add3A_214 = arith.addi %add3A_213, %mul3A_106 : i32
          %swap3A_215 = arith.index_cast %add3A_214 : i32 to index
          %swap3A_216 = tpu.vector_load %arg11[%swap3A_215] {strides = array<i32>} : memref<12288xf32, #tpu.memory_space<vmem>>, vector<16xf32>,
          tpu.vector_store %arg11[%swap3A_215], %mul3A_212 {strides = array<i32>} : memref<12288xf32, #tpu.memory_space<vmem>>, vector<16xf32>,
          %mul3A_217 = arith.mulf %mul3A_172, %mul3A_183 : vector<16xf32>
          %add3A_218 = arith.constant 6144 : i32
          %add3A_219 = arith.addi %add3A_218, %mul3A_106 : i32
          %swap3A_220 = arith.index_cast %add3A_219 : i32 to index
          %swap3A_221 = tpu.vector_load %arg11[%swap3A_220] {strides = array<i32>} : memref<12288xf32, #tpu.memory_space<vmem>>, vector<16xf32>,
          tpu.vector_store %arg11[%swap3A_220], %mul3A_217 {strides = array<i32>} : memref<12288xf32, #tpu.memory_space<vmem>>, vector<16xf32>,
          %mul3A_222 = arith.mulf %mul3A_172, %mul3A_184 : vector<16xf32>
          %add3A_223 = arith.constant 7680 : i32
          %add3A_224 = arith.addi %add3A_223, %mul3A_106 : i32
          %swap3A_225 = arith.index_cast %add3A_224 : i32 to index
          %swap3A_226 = tpu.vector_load %arg11[%swap3A_225] {strides = array<i32>} : memref<12288xf32, #tpu.memory_space<vmem>>, vector<16xf32>,
          tpu.vector_store %arg11[%swap3A_225], %mul3A_222 {strides = array<i32>} : memref<12288xf32, #tpu.memory_space<vmem>>, vector<16xf32>,
          %mul3A_227 = arith.mulf %mul3A_172, %mul3A_185 : vector<16xf32>
          %add3A_228 = arith.constant 9216 : i32
          %add3A_229 = arith.addi %add3A_228, %mul3A_106 : i32
          %swap3A_230 = arith.index_cast %add3A_229 : i32 to index
          %swap3A_231 = tpu.vector_load %arg11[%swap3A_230] {strides = array<i32>} : memref<12288xf32, #tpu.memory_space<vmem>>, vector<16xf32>,
          tpu.vector_store %arg11[%swap3A_230], %mul3A_227 {strides = array<i32>} : memref<12288xf32, #tpu.memory_space<vmem>>, vector<16xf32>,
          %mul3A_232 = arith.mulf %mul3A_172, %mul3A_186 : vector<16xf32>
          %add3A_233 = arith.constant 10752 : i32
          %add3A_234 = arith.addi %add3A_233, %mul3A_106 : i32
          %swap3A_235 = arith.index_cast %add3A_234 : i32 to index
          %swap3A_236 = tpu.vector_load %arg11[%swap3A_235] {strides = array<i32>} : memref<12288xf32, #tpu.memory_space<vmem>>, vector<16xf32>,
          tpu.vector_store %arg11[%swap3A_235], %mul3A_232 {strides = array<i32>} : memref<12288xf32, #tpu.memory_space<vmem>>, vector<16xf32>,
        }
        %scan3A_100 = arith.constant 96 : i32
        %dma_start3A_101 = arith.constant 0 : i32
        %dma_start3A_102 = arith.constant 0 : i32
        %dma_start3A_103 = tpu.memref_slice %arg2[%dma_start3A_101, %dma_start3A_102] : memref<3538944x8xf32, #tpu.memory_space<hbm>> -> memref<3538944x8xf32, #tpu.memory_space<hbm>>
        tpu.enqueue_indirect_dma source(%dma_start3A_103 : memref<3538944x8xf32, #tpu.memory_space<hbm>>) target(%arg13 : memref<1536x8xf32, #tpu.memory_space<vmem>>) offsets(%arg9 : memref<1536xi32, #tpu.memory_space<vmem>>) semaphore(%arg16 : memref<!tpu.dma_semaphore, #tpu.memory_space<semaphore_mem>>)
      } else {
      }
      %dma_wait3A_72 = arith.constant 0 : i32
      %dma_wait3A_73 = arith.constant 0 : i32
      %dma_wait3A_74 = tpu.memref_slice %arg2[%dma_wait3A_72, %dma_wait3A_73] : memref<3538944x8xf32, #tpu.memory_space<hbm>> -> memref<3538944x8xf32, #tpu.memory_space<hbm>>
      tpu.wait_indirect_dma semaphore(%arg17 : memref<!tpu.dma_semaphore, #tpu.memory_space<semaphore_mem>>) src(%dma_wait3A_74 : memref<3538944x8xf32, #tpu.memory_space<hbm>>) dst(%arg14 : memref<1536x8xf32, #tpu.memory_space<vmem>>)
      %add3A_75 = arith.constant 1 : i32
      %add3A_76 = arith.addi %mul3A_38, %add3A_75 : i32
      %scan3A_77 = arith.constant 0 : i32
      %scan3A_78 = arith.constant 0 : i32
      %scan3A_79 = arith.constant 96 : i32
      %scan3A_80 = arith.addi %scan3A_78, %scan3A_79 : i32
      %scan3A_81 = arith.constant 1 : i32
      scf.for %scan3A_88 = %scan3A_78 to %scan3A_80 step %scan3A_81  : i32 {
        %mul3A_89 = arith.constant 16 : i32
        %mul3A_90 = arith.muli %scan3A_88, %mul3A_89 : i32
        %add3A_91 = vector.broadcast %mul3A_90 : i32 to vector<16xi32>
        %add3A_92 = arith.addi %iota3A, %add3A_91 : vector<16xi32>
        %broadcast_in_dim3A_93 = arith.constant 0 : i32
        %broadcast_in_dim3A_94 = vector.broadcast %broadcast_in_dim3A_93 : i32 to vector<16xi32>
        %gather3A = tpu.vector_load_idx %arg14[%add3A_92, %broadcast_in_dim3A_94] : memref<1536x8xf32, #tpu.memory_space<vmem>>[vector<16xi32>, vector<16xi32>], vector<16xf32>,
        %add3A_95 = arith.constant 0 : i32
        %add3A_96 = arith.addi %add3A_95, %mul3A_90 : i32
        %get3A = arith.index_cast %add3A_96 : i32 to index
        %get3A_97 = tpu.vector_load %arg12[%get3A] {strides = array<i32>} : memref<12288xf32, #tpu.memory_space<vmem>>, vector<16xf32>,
        %mul3A_98 = arith.mulf %get3A_97, %gather3A : vector<16xf32>
        %broadcast_in_dim3A_99 = arith.constant 4 : i32
        %broadcast_in_dim3A_100 = vector.broadcast %broadcast_in_dim3A_99 : i32 to vector<16xi32>
        %gather3A_101 = tpu.vector_load_idx %arg14[%add3A_92, %broadcast_in_dim3A_100] : memref<1536x8xf32, #tpu.memory_space<vmem>>[vector<16xi32>, vector<16xi32>], vector<16xf32>,
        %add3A_102 = arith.constant 1536 : i32
        %add3A_103 = arith.addi %add3A_102, %mul3A_90 : i32
        %get3A_104 = arith.index_cast %add3A_103 : i32 to index
        %get3A_105 = tpu.vector_load %arg12[%get3A_104] {strides = array<i32>} : memref<12288xf32, #tpu.memory_space<vmem>>, vector<16xf32>,
        %mul3A_106 = arith.mulf %get3A_105, %gather3A_101 : vector<16xf32>
        %add3A_107 = arith.addf %mul3A_98, %mul3A_106 : vector<16xf32>
        %broadcast_in_dim3A_108 = arith.constant 2 : i32
        %broadcast_in_dim3A_109 = vector.broadcast %broadcast_in_dim3A_108 : i32 to vector<16xi32>
        %gather3A_110 = tpu.vector_load_idx %arg14[%add3A_92, %broadcast_in_dim3A_109] : memref<1536x8xf32, #tpu.memory_space<vmem>>[vector<16xi32>, vector<16xi32>], vector<16xf32>,
        %add3A_111 = arith.constant 3072 : i32
        %add3A_112 = arith.addi %add3A_111, %mul3A_90 : i32
        %get3A_113 = arith.index_cast %add3A_112 : i32 to index
        %get3A_114 = tpu.vector_load %arg12[%get3A_113] {strides = array<i32>} : memref<12288xf32, #tpu.memory_space<vmem>>, vector<16xf32>,
        %mul3A_115 = arith.mulf %get3A_114, %gather3A_110 : vector<16xf32>
        %add3A_116 = arith.addf %add3A_107, %mul3A_115 : vector<16xf32>
        %broadcast_in_dim3A_117 = arith.constant 6 : i32
        %broadcast_in_dim3A_118 = vector.broadcast %broadcast_in_dim3A_117 : i32 to vector<16xi32>
        %gather3A_119 = tpu.vector_load_idx %arg14[%add3A_92, %broadcast_in_dim3A_118] : memref<1536x8xf32, #tpu.memory_space<vmem>>[vector<16xi32>, vector<16xi32>], vector<16xf32>,
        %add3A_120 = arith.constant 4608 : i32
        %add3A_121 = arith.addi %add3A_120, %mul3A_90 : i32
        %get3A_122 = arith.index_cast %add3A_121 : i32 to index
        %get3A_123 = tpu.vector_load %arg12[%get3A_122] {strides = array<i32>} : memref<12288xf32, #tpu.memory_space<vmem>>, vector<16xf32>,
        %mul3A_124 = arith.mulf %get3A_123, %gather3A_119 : vector<16xf32>
        %add3A_125 = arith.addf %add3A_116, %mul3A_124 : vector<16xf32>
        %broadcast_in_dim3A_126 = arith.constant 1 : i32
        %broadcast_in_dim3A_127 = vector.broadcast %broadcast_in_dim3A_126 : i32 to vector<16xi32>
        %gather3A_128 = tpu.vector_load_idx %arg14[%add3A_92, %broadcast_in_dim3A_127] : memref<1536x8xf32, #tpu.memory_space<vmem>>[vector<16xi32>, vector<16xi32>], vector<16xf32>,
        %add3A_129 = arith.constant 6144 : i32
        %add3A_130 = arith.addi %add3A_129, %mul3A_90 : i32
        %get3A_131 = arith.index_cast %add3A_130 : i32 to index
        %get3A_132 = tpu.vector_load %arg12[%get3A_131] {strides = array<i32>} : memref<12288xf32, #tpu.memory_space<vmem>>, vector<16xf32>,
        %mul3A_133 = arith.mulf %get3A_132, %gather3A_128 : vector<16xf32>
        %add3A_134 = arith.addf %add3A_125, %mul3A_133 : vector<16xf32>
        %broadcast_in_dim3A_135 = arith.constant 5 : i32
        %broadcast_in_dim3A_136 = vector.broadcast %broadcast_in_dim3A_135 : i32 to vector<16xi32>
        %gather3A_137 = tpu.vector_load_idx %arg14[%add3A_92, %broadcast_in_dim3A_136] : memref<1536x8xf32, #tpu.memory_space<vmem>>[vector<16xi32>, vector<16xi32>], vector<16xf32>,
        %add3A_138 = arith.constant 7680 : i32
        %add3A_139 = arith.addi %add3A_138, %mul3A_90 : i32
        %get3A_140 = arith.index_cast %add3A_139 : i32 to index
        %get3A_141 = tpu.vector_load %arg12[%get3A_140] {strides = array<i32>} : memref<12288xf32, #tpu.memory_space<vmem>>, vector<16xf32>,
        %mul3A_142 = arith.mulf %get3A_141, %gather3A_137 : vector<16xf32>
        %add3A_143 = arith.addf %add3A_134, %mul3A_142 : vector<16xf32>
        %broadcast_in_dim3A_144 = arith.constant 3 : i32
        %broadcast_in_dim3A_145 = vector.broadcast %broadcast_in_dim3A_144 : i32 to vector<16xi32>
        %gather3A_146 = tpu.vector_load_idx %arg14[%add3A_92, %broadcast_in_dim3A_145] : memref<1536x8xf32, #tpu.memory_space<vmem>>[vector<16xi32>, vector<16xi32>], vector<16xf32>,
        %add3A_147 = arith.constant 9216 : i32
        %add3A_148 = arith.addi %add3A_147, %mul3A_90 : i32
        %get3A_149 = arith.index_cast %add3A_148 : i32 to index
        %get3A_150 = tpu.vector_load %arg12[%get3A_149] {strides = array<i32>} : memref<12288xf32, #tpu.memory_space<vmem>>, vector<16xf32>,
        %mul3A_151 = arith.mulf %get3A_150, %gather3A_146 : vector<16xf32>
        %add3A_152 = arith.addf %add3A_143, %mul3A_151 : vector<16xf32>
        %broadcast_in_dim3A_153 = arith.constant 7 : i32
        %broadcast_in_dim3A_154 = vector.broadcast %broadcast_in_dim3A_153 : i32 to vector<16xi32>
        %gather3A_155 = tpu.vector_load_idx %arg14[%add3A_92, %broadcast_in_dim3A_154] : memref<1536x8xf32, #tpu.memory_space<vmem>>[vector<16xi32>, vector<16xi32>], vector<16xf32>,
        %add3A_156 = arith.constant 10752 : i32
        %add3A_157 = arith.addi %add3A_156, %mul3A_90 : i32
        %get3A_158 = arith.index_cast %add3A_157 : i32 to index
        %get3A_159 = tpu.vector_load %arg12[%get3A_158] {strides = array<i32>} : memref<12288xf32, #tpu.memory_space<vmem>>, vector<16xf32>,
        %mul3A_160 = arith.mulf %get3A_159, %gather3A_155 : vector<16xf32>
        %add3A_161 = arith.addf %add3A_152, %mul3A_160 : vector<16xf32>
        %swap3A = arith.index_cast %mul3A_90 : i32 to index
        %swap3A_162 = tpu.vector_load %arg15[%swap3A] {strides = array<i32>} : memref<1536xf32, #tpu.memory_space<vmem>>, vector<16xf32>,
        tpu.vector_store %arg15[%swap3A], %add3A_161 {strides = array<i32>} : memref<1536xf32, #tpu.memory_space<vmem>>, vector<16xf32>,
      }
      %scan3A_82 = arith.constant 96 : i32
      %mul3A_83 = arith.constant 110592 : i32
      %mul3A_84 = arith.muli %add3A, %mul3A_83 : i32
      %mul3A_85 = arith.constant 1536 : i32
      %mul3A_86 = arith.muli %add3A_76, %mul3A_85 : i32
      %add3A_87 = arith.addi %mul3A_84, %mul3A_86 : i32
      "tpu.region"() ({
        %run_scoped3A = tpu.sem_alloc : memref<!tpu.dma_semaphore, #tpu.memory_space<semaphore_mem>>
        %dma_start3A_88 = tpu.memref_slice %arg6[%add3A_87] : memref<3538944xf32, #tpu.memory_space<hbm>> -> memref<1536xf32, #tpu.memory_space<hbm>>
        %dma_start3A_89 = tpu.memref_slice %arg6[%add3A_87] : memref<3538944xf32, #tpu.memory_space<hbm>> -> memref<1536xf32, #tpu.memory_space<hbm>>
        tpu.enqueue_dma source(%arg15 : memref<1536xf32, #tpu.memory_space<vmem>>) target(%dma_start3A_89 : memref<1536xf32, #tpu.memory_space<hbm>>) target_semaphore(%run_scoped3A : memref<!tpu.dma_semaphore, #tpu.memory_space<semaphore_mem>>)
        %dma_wait3A_90 = tpu.memref_slice %arg6[%add3A_87] : memref<3538944xf32, #tpu.memory_space<hbm>> -> memref<1536xf32, #tpu.memory_space<hbm>>
        %dma_wait3A_91 = tpu.memref_slice %arg6[%add3A_87] : memref<3538944xf32, #tpu.memory_space<hbm>> -> memref<1536xf32, #tpu.memory_space<hbm>>
        tpu.wait_dma2 semaphore(%run_scoped3A : memref<!tpu.dma_semaphore, #tpu.memory_space<semaphore_mem>>) src(%arg15 : memref<1536xf32, #tpu.memory_space<vmem>>) dst(%dma_wait3A_91 : memref<1536xf32, #tpu.memory_space<hbm>>)
        tpu.yield
      }) : () -> ()
    }
    %scan3A_35 = arith.constant 36 : i32
    return
  }
}

</mosaic_0001>

<sc_bundles>
// kernel: kernel.4.cloned.1.call-start
scs
__scs_entry_jumppad:
0x0: {  	(pc) =	sbr.rel $0x88, $3  }
0x1: {  	(tag) =	ssettag $0x0;
	lr =	simm.s32 $0x1  }
0x2: {  	[smem:$0x3F9F] =	sst lr;
	_ =	strace $0xD0000000  }
0x3: {  	_ = 	snop  }
0x4: {  	_ = 	snop  }
0x5: {  	_ = 	snop  }
0x6: {  	_ = 	snop  }
0x7: {  	_ = 	snop  }
__scs_overlays_trampoline_lowered:
0x8: {  	[smem:$0x3FAE] =	sst s0  }
0x9: {  	[smem:$0x3FAF] =	sst s1  }
0xa: {  	[smem:$0x3FB0] =	sst s2  }
0xb: {  	[smem:$0x3FB1] =	sst s3  }
0xc: {  	[smem:$0x3FB2] =	sst s4  }
0xd: {  	[smem:$0x3FB3] =	sst s5  }
0xe: {  	[smem:$0x3FB4] =	sst s6  }
0xf: {  	[smem:$0x3FB5] =	sst s7  }
0x10: {  	[smem:$0x3FB6] =	sst s8  }
0x11: {  	[smem:$0x3FB7] =	sst s9;
	s0 =	simm.s32 @!p0 $0x0  }
0x12: {  	s1 =	sld [smem:$0x3F9D];
	s0 =	simm.s32 @p0 $0x1  }
0x13: {  	[smem:$0x3FB8] =	sst s0;
	s0 =	simm.s32 @!p1 $0x0  }
0x14: {  	s2 =	sld [smem:$0x3F9C];
	s0 =	simm.s32 @p1 $0x1  }
0x15: {  	[smem:$0x3FB9] =	sst s0;
	s0 =	simm.s32 @!p2 $0x0  }
0x16: {  	s3 =	sld [smem:$0x3FDB];
	s0 =	simm.s32 @p2 $0x1  }
0x17: {  	s4 =	simm.s32 $0x1BF5;
	[smem:$0x3FBB] =	sst s0  }
0x18: {  	s0 =	sld [smem:$0x3F9E];
	_ =	swait.ge [sflag:s4], $0x0  }
0x19: {  	s7 =	sld [smem:$0x3F9F]  }
0x1a: {  	s8 =	sadd.s32 $0xFFFFE003, lr  }
0x1b: {  	s9 =	sadd.s32 $0xFFFFFEF7, lr;
	s5 =	simm.s32 $0xFFFFFFFF;
	p2 =	slt.u32 s8, $0xFFFFF086  }
0x1c: {  	p1 =	slt.u32 s9, $0xF7A;
	s5 =	simm.s32 @!p2 $0x0  }
0x1d: {  	s5 =	simm.s32 @p1 $0x1;
	p0 =	seq.s32 s7, s2  }
0x1e: {  	s7 =	smul.u32 @!p0 $0xF7A, s2;
	p2 =	seq.s32 @!p0 s5, $0x0  }
0x1f: {  	s9 =	smul.u32 $0xF7A, s1;
	s8 =	simm.s32 @!p0 $0x1BF5;
	p2 =	por !p2, p0  }
0x20: {  	[sflag:s8] =	ssyncset.s32 @!p0 $0xFFFFF086;
	s6 =	sadd.s32 @!p0 s3, s7;
	s7 =	simm.s32 @!p0 $0x108  }
0x21: {  	s3 =	sadd.s32 s3, s9;
	s6 =	sadd.s32 @!p0 $0x88, s6;
	s7 =	simm.s32 @p2 $0x1082  }
0x22: {  	[simem:s7], [sflag:s8] =	dma.local @!p0 [hbm:s6], $0xF7A  }
0x23: {  	s9 =	sor.u32 $0xD0000000, s2;
	s6 =	simm.s32 $0x108;
	_ =	swait.ge @!p0 [sflag:s8], $0x0  }
0x24: {  	s3 =	sadd.s32 $0x88, s3;
	s6 =	simm.s32 @!p1 $0x1082;
	[sflag:s4] =	ssyncset.s32 $0xFFFFF086  }
0x25: {  	[simem:s6], [sflag:s4] =	dma.local [hbm:s3], $0xF7A  }
0x26: {  	[smem:$0x3F9F] =	sst s1;
	(tag) =	ssettag s2;
	_ =	strace s9  }
0x27: {  	s1 =	sld [smem:$0x3FAF]  }
0x28: {  	s2 =	sld [smem:$0x3FB0]  }
0x29: {  	s4 =	sld [smem:$0x3FB2]  }
0x2a: {  	p0 =	seq.s32 s5, $0x0;
	s5 =	sld [smem:$0x3FB3]  }
0x2b: {  	s6 =	sld [smem:$0x3FB4]  }
0x2c: {  	s7 =	sld [smem:$0x3FB5]  }
0x2d: {  	s3 =	simm.s32 $0x108;
	s8 =	sld [smem:$0x3FB6]  }
0x2e: {  	s3 =	simm.s32 @!p0 $0x1082;
	s9 =	sld [smem:$0x3FB7]  }
0x2f: {  	lr =	sadd.s32 s0, s3;
	s0 =	sld [smem:$0x3FAE]  }
0x30: {  	s3 =	sld [smem:$0x3FB1]  }
0x31: {  	[smem:$0x3FBA] =	sst s10  }
0x32: {  	s10 =	sld [smem:$0x3FB8];
	_ =	sdelay $0x3  }
0x33: {  	p0 =	seq.s32 s10, $0x1;
	s10 =	sld [smem:$0x3FBA];
	_ =	sdelay $0x3  }
0x34: {  	[smem:$0x3FBA] =	sst s10  }
0x35: {  	s10 =	sld [smem:$0x3FB9];
	_ =	sdelay $0x3  }
0x36: {  	p1 =	seq.s32 s10, $0x1;
	s10 =	sld [smem:$0x3FBA];
	_ =	sdelay $0x3  }
0x37: {  	[smem:$0x3FBA] =	sst s10  }
0x38: {  	s10 =	sld [smem:$0x3FBB]  }
0x39: {  	_ = 	snop;
	(pc) =	sbr.ind lr, $3  }
0x3a: {  	_ = 	snop  }
0x3b: {  	_ = 	snop  }
0x3c: {  	p2 =	seq.s32 s10, $0x1;
	s10 =	sld [smem:$0x3FBA]  }
0x3d: {  	_ =	shalt  }
0x3e: {  	_ =	shalt  }
0x3f: {  	_ =	shalt  }
0x40: {  	_ =	shalt  }
0x41: {  	_ =	shalt  }
0x42: {  	_ =	shalt  }
0x43: {  	_ =	shalt  }
0x44: {  	_ =	shalt  }
0x45: {  	_ =	shalt  }
0x46: {  	_ =	shalt  }
0x47: {  	_ =	shalt  }
0x48: {  	_ =	shalt  }
0x49: {  	_ =	shalt  }
0x4a: {  	_ =	shalt  }
0x4b: {  	_ =	shalt  }
0x4c: {  	_ =	shalt  }
0x4d: {  	_ =	shalt  }
0x4e: {  	_ =	shalt  }
0x4f: {  	_ =	shalt  }
0x50: {  	_ =	shalt  }
0x51: {  	_ =	shalt  }
0x52: {  	_ =	shalt  }
0x53: {  	_ =	shalt  }
0x54: {  	_ =	shalt  }
0x55: {  	_ =	shalt  }
0x56: {  	_ =	shalt  }
0x57: {  	_ =	shalt  }
0x58: {  	_ =	shalt  }
0x59: {  	_ =	shalt  }
0x5a: {  	_ =	shalt  }
0x5b: {  	_ =	shalt  }
0x5c: {  	_ =	shalt  }
0x5d: {  	_ =	shalt  }
0x5e: {  	_ =	shalt  }
0x5f: {  	_ =	shalt  }
0x60: {  	_ =	shalt  }
0x61: {  	_ =	shalt  }
0x62: {  	_ =	shalt  }
0x63: {  	_ =	shalt  }
0x64: {  	_ =	shalt  }
0x65: {  	_ =	shalt  }
0x66: {  	_ =	shalt  }
0x67: {  	_ =	shalt  }
0x68: {  	_ =	shalt  }
0x69: {  	_ =	shalt  }
0x6a: {  	_ =	shalt  }
0x6b: {  	_ =	shalt  }
0x6c: {  	_ =	shalt  }
0x6d: {  	_ =	shalt  }
0x6e: {  	_ =	shalt  }
0x6f: {  	_ =	shalt  }
0x70: {  	_ =	shalt  }
0x71: {  	_ =	shalt  }
0x72: {  	_ =	shalt  }
0x73: {  	_ =	shalt  }
0x74: {  	_ =	shalt  }
0x75: {  	_ =	shalt  }
0x76: {  	_ =	shalt  }
0x77: {  	_ =	shalt  }
0x78: {  	_ =	shalt  }
0x79: {  	_ =	shalt  }
0x7a: {  	_ =	shalt  }
0x7b: {  	_ =	shalt  }
0x7c: {  	_ =	shalt  }
0x7d: {  	_ =	shalt  }
0x7e: {  	_ =	shalt  }
0x7f: {  	_ =	shalt  }
0x80: {  	_ =	shalt  }
0x81: {  	_ =	shalt  }
0x82: {  	_ =	shalt  }
0x83: {  	_ =	shalt  }
0x84: {  	_ =	shalt  }
0x85: {  	_ =	shalt  }
0x86: {  	_ =	shalt  }
0x87: {  	_ =	shalt  }
.Lfunc_end0:
.L_simem_size_0:
called_computation_lowered:
.L_overlay_start_0:
0x88: {  	s2 =	sld [smem:$0x3FD9]  }
0x89: {  	s3 =	sld [smem:$0x3FFE];
	_ =	sdelay $0x1  }
0x8a: {  	s1 =	srdreg.scid  }
0x8b: {  	s0 =	sand.u32 $0x1, s1  }
0x8c: {  	s17 =	sshll.u32 s0, $0xA;
	s2 =	sadd.s32 s3, s2  }
0x8d: {  	s2 =	sadd.s32 s2, s17  }
0x8e: {  	[smem:$0x3FC6] =	sst s2  }
0x8f: {  	_ = 	snop  }
0x90: {  	s2 =	sld [smem:$0x3FD0];
	(tm) =	ssettm $0x1  }
0x91: {  	s18 =	sld [smem:$0x3FFB];
	_ =	sdelay $0x3  }
0x92: {  	_ =	strace s18  }
0x93: {  	s3 =	sld [smem:$0x3FFC];
	_ =	sdelay $0x3  }
0x94: {  	_ =	strace s3  }
0x95: {  	s3 =	sld [smem:$0x3FFD];
	_ =	sdelay $0x3  }
0x96: {  	_ =	strace s3  }
0x97: {  	_ =	strace $0x8FFFFFFF  }
0x98: {  	s19 =	sld [smem:$0x3FDB];
	_ =	sdelay $0x1  }
0x99: {  	s4 =	simm.s32 $_scs_section_size  }
0x9a: {  	s5 =	simm.s32 $_size__tile_overlayer_lowered;
	s6 =	simm.s32 $_tile_overlayer_lowered  }
0x9b: {  	s22 =	simm.s32 $0x1BFF;
	s21 =	sshll.u32 s6, $0x1;
	s3 =	sadd.s32 s4, s19  }
0x9c: {  	s7 =	simm.s32 $0x0;
	s20 =	sshll.u32 s5, $0x1;
	s5 =	sadd.s32 s21, s3  }
0x9d: {  	[timem:s7], [sflag:s22] =	dma.local [hbm:s5], s20  }
0x9e: {  	_ =	swait.ge [sflag:s22], s20  }
0x9f: {  	s4 =	ssub.s32 $0x0, s20;
	[sflag:s22] =	ssyncset.done $0x0  }
0xa0: {  	[sflag:s22] =	ssyncadd.s32 s4;
	_ =	sdelay $0x1  }
0xa1: {  	s23 =	simm.s32 $0x1B8B  }
0xa2: {  	_ =	swait.ge [sflag:s23], $0x1  }
0xa3: {  	[sflag:s23] =	ssyncset.done $0x0  }
0xa4: {  	s25 =	simm.s32 $0x1B8E;
	s24 =	sld [smem:$0x3FFE];
	[sflag:s23] =	ssyncadd.s32 $0xFFFFFFFF  }
0xa5: {  	s26 =	simm.s32 $execute0_lowered;
	[smem:$0x3FD2] =	sst s25  }
0xa6: {  	s5 =	sshll.u32 s26, $0x1;
	_ =	strace $0x80000046;
	[dreg:$0x1] =	wrdreg $0xFFFFFFFF  }
0xa7: {  	s28 =	simm.s32 $_size_execute0_lowered;
	s3 =	sadd.s32 s3, s5;
	[dreg:$0x0] =	wrdreg $0x0  }
0xa8: {  	s5 =	sshll.u32 s28, $0x1;
	[dreg:$0x2] =	wrdreg s3  }
0xa9: {  	[dreg:$0x3] =	wrdreg s5  }
0xaa: {  	[dreg:$0x4] =	wrdreg $0xC0  }
0xab: {  	_ =	task [dreg:s7], $0x5FFFF  }
0xac: {  	[dreg:$0x1] =	wrdreg $0xFFFFFFFF  }
0xad: {  	[dreg:$0x0] =	wrdreg $0x60  }
0xae: {  	[dreg:$0x2] =	wrdreg s2  }
0xaf: {  	[dreg:$0x3] =	wrdreg s24  }
0xb0: {  	[dreg:$0x4] =	wrdreg $0x9  }
0xb1: {  	_ =	task.clear_ibuf [dreg:s7], $0x5FFFF;
	_ =	strace $0x90000046  }
0xb2: {  	s29 =	simm.s32 $0x9;
	_ =	strace $0x80000048  }
0xb3: {  	_ =	swait.ge [sflag:s29], $0x1  }
0xb4: {  	[sflag:s29] =	ssyncadd.s32 $0xFFFFFFFF  }
0xb5: {  	_ =	strace $0x90000048  }
0xb6: {  	_ =	sfence  }
0xb7: {  	s30 =	sld [smem:$0x0];
	_ =	sdelay $0x2  }
0xb8: {  	s31 =	sshll.u32 s1, $0xD;
	s1 =	sshrl.u32 s1, $0x2  }
0xb9: {  	s3 =	sand.u32 $0x4000, s31;
	s1 =	sadd.s32 s1, s30  }
0xba: {  	s0 =	sor.u32 s3, s0;
	s1 =	sshll.u32 s1, $0x11  }
0xbb: {  	s0 =	sor.u32 s1, s0  }
0xbc: {  	s0 =	sadd.s32 $0x8F2B, s0  }
0xbd: {  	[sflag:s0] =	ssyncadd.remote.s32 $0x1  }
0xbe: {  	_ =	sfence.sel $0xFFFF  }
0xbf: {  	[dreg:$0x0] =	wrdreg $0xFFFFFFFF;
	(pc) =	sbr.abs _section_cstart, $3  }
0xc0: {  	[dreg:$0x1] =	wrdreg $0xFFFFFFFF  }
0xc1: {  	_ =	task.clear_ibuf [dreg:s7], $0x2FFFF;
	_ =	strace $0x9FFFFFFF  }
0xc2: {  	(tm) =	ssettm $0x7FFFFFFF  }
0xc3: {  	_ =	shalt  }
tec
execute0_lowered:
.L_overlay_start_1:
0x0: {  	(tag) =	ssettag $0x1  }
0x1: {  	s1 =	rddreg [dreg:$0x0]  }
0x2: {  	s4 =	rddreg [dreg:$0x1]  }
0x3: {  	s2 =	srdreg.scid;
	s0 =	rddreg [dreg:$0x2];
	s3 =	simm.s32 $0x0  }
0x4: {  	v1 =	vimm.s32 $0x7654321;
	v0 =	vlaneseq.u32;
	s9 =	simm.s32 $0x0;
	s5 =	sand.u32 $0x1, s2;
	s2 =	stileid.u32  }
0x5: {  	v4 =	vunpack.c.l.s4.s8 v1;
	[smem:$0x7FF] =	sst s3;
	v1 =	vand.u32 $0x7, v0;
	s4 =	sadd.s32 $0xA00, s4;
	s6 =	ssub.s32 $0x2, s5  }
0x6: {  	v3 =	vadd.s32 $0x1, v0;
	v5 =	vor.u32 $0x60, v0;
	v6 =	vadd.s32 $0x61, v0;
	s8 =	sshll.u32 s2, $0x1;
	_ =	strace $0x80000047;
	s7 =	sshrl.u32 s6, $0x1  }
0x7: {  	v7 =	vor.u32 $0x2400, v0;
	v8 =	vadd.s32 $0x2401, v0;
	v9 =	vor.u32 $0x2460, v0;
	s5 =	sor.u32 s5, s8;
	s8 =	simm.s32 $0x2A68;
	s6 =	ssub.s32 s6, s7  }
0x8: {  	v10 =	vadd.s32 $0x2461, v0;
	v2 =	vor.u32 $0xFFFFFFF8, v1;
	v4 =	vunpack.c.0.s8.s32 v4;
	s5 =	smul.u32 $0x1B000, s5;
	s7 =	simm.s32 $0x1;
	s6 =	smax.u32 s6, $0x1  }
.LBB2_1:
0x9: {  	s10 =	simm.s32 $0x0  }
.LBB2_2:
0xa: {  	s11 =	smul.u32 $0x600, s10;
	_ =	sdelay $0x1  }
0xb: {  	s12 =	simm.s32 $0x0;
	s11 =	sadd.s32 s5, s11  }
0xc: {  	v11 =	vor.u32 s12, v0;
	s13 =	sshrl.u32 s11, $0x3  }
0xd: {  	v12 =	vand.u32 v2, v11;
	s13 =	sadd.s32 s1, s13  }
0xe: {  	[tilespmem:s12], [sflag:$0x1] =	stream.linear.gather [hbm4b:s13+s12], $0x2A68, $0x38;
	[tilespmem:$0x5A68] =	vst v63  }
0xf: {  	_ =	swait.ge [sflag:s7], $0x2A68  }
0x10: {  	[sflag:s7] =	ssyncset.done $0x0  }
0x11: {  	v13 =	vadd.s32 s12, v3;
	[sflag:s7] =	ssyncadd.s32 $0xFFFFD598  }
0x12: {  	v14 =	vshll.u32 v11, $0x3;
	v11 =	vand.u32 $0xFF8, v13;
	v12 =	vld.idx.msk [tilespmem:v12+s3+$0x0], $0xffff  }
0x13: {  	v11 =	vor.u32 v4, v11;
	_ =	sdelay $0x3  }
0x14: {  	[tilespmem:v14+s8+$0x0] =	vst.idx.msk $0xffff, v12;
	v12 =	vadd.s32 s12, v5  }
0x15: {  	v13 =	vor.u32 $0x1, v14;
	v11 =	vld.idx.msk [tilespmem:v11+s3+$0x0], $0xffff;
	v12 =	vand.u32 $0xFF8, v12  }
0x16: {  	v12 =	vor.u32 v1, v12;
	_ =	sdelay $0x3  }
0x17: {  	[tilespmem:v13+s8+$0x0] =	vst.idx.msk $0xffff, v11;
	v11 =	vadd.s32 s12, v6  }
0x18: {  	v13 =	vor.u32 $0x2, v14;
	v12 =	vld.idx.msk [tilespmem:v12+s3+$0x0], $0xffff;
	v11 =	vand.u32 $0xFF8, v11  }
0x19: {  	v11 =	vor.u32 v4, v11;
	_ =	sdelay $0x3  }
0x1a: {  	[tilespmem:v13+s8+$0x0] =	vst.idx.msk $0xffff, v12;
	v12 =	vadd.s32 s12, v7  }
0x1b: {  	v13 =	vor.u32 $0x3, v14;
	v11 =	vld.idx.msk [tilespmem:v11+s3+$0x0], $0xffff;
	v12 =	vand.u32 $0x2FF8, v12  }
0x1c: {  	v12 =	vor.u32 v1, v12;
	_ =	sdelay $0x3  }
0x1d: {  	[tilespmem:v13+s8+$0x0] =	vst.idx.msk $0xffff, v11;
	v11 =	vadd.s32 s12, v8  }
0x1e: {  	v13 =	vor.u32 $0x4, v14;
	v12 =	vld.idx.msk [tilespmem:v12+s3+$0x0], $0xffff;
	v11 =	vand.u32 $0x2FF8, v11  }
0x1f: {  	v11 =	vor.u32 v4, v11;
	_ =	sdelay $0x3  }
0x20: {  	[tilespmem:v13+s8+$0x0] =	vst.idx.msk $0xffff, v12;
	v12 =	vadd.s32 s12, v9  }
0x21: {  	v13 =	vor.u32 $0x5, v14;
	v11 =	vld.idx.msk [tilespmem:v11+s3+$0x0], $0xffff;
	v12 =	vand.u32 $0x2FF8, v12  }
0x22: {  	v12 =	vor.u32 v1, v12;
	_ =	sdelay $0x3  }
0x23: {  	[tilespmem:v13+s8+$0x0] =	vst.idx.msk $0xffff, v11;
	v11 =	vadd.s32 s12, v10  }
0x24: {  	v13 =	vor.u32 $0x6, v14;
	v12 =	vld.idx.msk [tilespmem:v12+s3+$0x0], $0xffff;
	v11 =	vand.u32 $0x2FF8, v11  }
0x25: {  	v11 =	vor.u32 v4, v11;
	_ =	sdelay $0x3  }
0x26: {  	s12 =	simm.s32 $0x10;
	[tilespmem:v13+s8+$0x0] =	vst.idx.msk $0xffff, v12  }
0x27: {  	s13 =	simm.s32 $0x20;
	v13 =	vor.u32 $0x7, v14;
	v12 =	vld.idx.msk [tilespmem:v11+s3+$0x0], $0xffff;
	v11 =	vor.u32 s12, v0  }
.LBB2_3:
0x28: {  	p0 =	sne.s32 s13, $0x5F0;
	v14 =	vand.u32 v2, v11;
	_ =	sdelay $0x3  }
0x29: {  	[tilespmem:v13+s8+$0x0] =	vst.idx.msk $0xffff, v12  }
0x2a: {  	v13 =	vadd.s32 s12, v3;
	v12 =	vld.idx.msk [tilespmem:v14+s3+$0x0], $0xffff  }
0x2b: {  	v14 =	vshll.u32 v11, $0x3;
	v11 =	vand.u32 $0xFF8, v13  }
0x2c: {  	v11 =	vor.u32 v4, v11;
	_ =	sdelay $0x3  }
0x2d: {  	[tilespmem:v14+s8+$0x0] =	vst.idx.msk $0xffff, v12  }
0x2e: {  	v12 =	vadd.s32 s12, v5;
	v11 =	vld.idx.msk [tilespmem:v11+s3+$0x0], $0xffff  }
0x2f: {  	v13 =	vor.u32 $0x1, v14;
	v12 =	vand.u32 $0xFF8, v12  }
0x30: {  	v12 =	vor.u32 v1, v12;
	_ =	sdelay $0x3  }
0x31: {  	[tilespmem:v13+s8+$0x0] =	vst.idx.msk $0xffff, v11  }
0x32: {  	v11 =	vld.idx.msk [tilespmem:v12+s3+$0x0], $0xffff;
	v12 =	vadd.s32 s12, v6  }
0x33: {  	v13 =	vor.u32 $0x2, v14;
	v12 =	vand.u32 $0xFF8, v12  }
0x34: {  	v12 =	vor.u32 v4, v12;
	_ =	sdelay $0x3  }
0x35: {  	[tilespmem:v13+s8+$0x0] =	vst.idx.msk $0xffff, v11  }
0x36: {  	v11 =	vld.idx.msk [tilespmem:v12+s3+$0x0], $0xffff;
	v12 =	vadd.s32 s12, v7  }
0x37: {  	v13 =	vor.u32 $0x3, v14;
	v12 =	vand.u32 $0x2FF8, v12  }
0x38: {  	v12 =	vor.u32 v1, v12;
	_ =	sdelay $0x3  }
0x39: {  	[tilespmem:v13+s8+$0x0] =	vst.idx.msk $0xffff, v11  }
0x3a: {  	v11 =	vld.idx.msk [tilespmem:v12+s3+$0x0], $0xffff;
	v12 =	vadd.s32 s12, v8  }
0x3b: {  	v13 =	vor.u32 $0x4, v14;
	v12 =	vand.u32 $0x2FF8, v12  }
0x3c: {  	v12 =	vor.u32 v4, v12;
	_ =	sdelay $0x3  }
0x3d: {  	[tilespmem:v13+s8+$0x0] =	vst.idx.msk $0xffff, v11  }
0x3e: {  	v11 =	vld.idx.msk [tilespmem:v12+s3+$0x0], $0xffff;
	v12 =	vadd.s32 s12, v9  }
0x3f: {  	v13 =	vor.u32 $0x5, v14;
	v12 =	vand.u32 $0x2FF8, v12  }
0x40: {  	v12 =	vor.u32 v1, v12;
	_ =	sdelay $0x3  }
0x41: {  	[tilespmem:v13+s8+$0x0] =	vst.idx.msk $0xffff, v11  }
0x42: {  	v11 =	vld.idx.msk [tilespmem:v12+s3+$0x0], $0xffff;
	v12 =	vadd.s32 s12, v10;
	s12 =	smov.u32 s13  }
0x43: {  	v13 =	vor.u32 $0x6, v14;
	v12 =	vand.u32 $0x2FF8, v12  }
0x44: {  	v12 =	vor.u32 v4, v12;
	_ =	sdelay $0x1  }
.Ltmp0:
0x45: {  	(pc) =	sbr.rel @p0 .LBB2_3-.Ltmp0, $4  }
0x46: {  	_ = 	snop  }
0x47: {  	[tilespmem:v13+s8+$0x0] =	vst.idx.msk $0xffff, v11  }
0x48: {  	v12 =	vld.idx.msk [tilespmem:v12+s3+$0x0], $0xffff  }
0x49: {  	s13 =	sadd.s32 $0x10, s13;
	v11 =	vor.u32 s12, v0;
	v13 =	vor.u32 $0x7, v14  }
0x4a: {  	v14 =	vand.u32 v2, v11;
	_ =	sdelay $0x3  }
0x4b: {  	v51 =	vadd.s32 s12, v3;
	[tilespmem:v13+s8+$0x0] =	vst.idx.msk $0xffff, v12  }
0x4c: {  	v11 =	vshll.u32 v11, $0x3;
	v12 =	vand.u32 $0xFF8, v51;
	v13 =	vld.idx.msk [tilespmem:v14+s3+$0x0], $0xffff  }
0x4d: {  	v12 =	vor.u32 v4, v12;
	_ =	sdelay $0x3  }
0x4e: {  	v52 =	vadd.s32 s12, v5;
	[tilespmem:v11+s8+$0x0] =	vst.idx.msk $0xffff, v13  }
0x4f: {  	v53 =	vor.u32 $0x1, v11;
	v13 =	vand.u32 $0xFF8, v52;
	v12 =	vld.idx.msk [tilespmem:v12+s3+$0x0], $0xffff  }
0x50: {  	v13 =	vor.u32 v1, v13;
	_ =	sdelay $0x3  }
0x51: {  	v54 =	vadd.s32 s12, v6;
	[tilespmem:v53+s8+$0x0] =	vst.idx.msk $0xffff, v12  }
0x52: {  	v55 =	vor.u32 $0x2, v11;
	v12 =	vand.u32 $0xFF8, v54;
	v13 =	vld.idx.msk [tilespmem:v13+s3+$0x0], $0xffff  }
0x53: {  	v12 =	vor.u32 v4, v12;
	_ =	sdelay $0x3  }
0x54: {  	v56 =	vadd.s32 s12, v7;
	[tilespmem:v55+s8+$0x0] =	vst.idx.msk $0xffff, v13  }
0x55: {  	v57 =	vor.u32 $0x3, v11;
	v13 =	vand.u32 $0x2FF8, v56;
	v12 =	vld.idx.msk [tilespmem:v12+s3+$0x0], $0xffff  }
0x56: {  	v13 =	vor.u32 v1, v13;
	_ =	sdelay $0x3  }
0x57: {  	v58 =	vadd.s32 s12, v8;
	[tilespmem:v57+s8+$0x0] =	vst.idx.msk $0xffff, v12  }
0x58: {  	v59 =	vor.u32 $0x4, v11;
	v12 =	vand.u32 $0x2FF8, v58;
	v13 =	vld.idx.msk [tilespmem:v13+s3+$0x0], $0xffff  }
0x59: {  	v12 =	vor.u32 v4, v12;
	_ =	sdelay $0x3  }
0x5a: {  	v60 =	vadd.s32 s12, v9;
	[tilespmem:v59+s8+$0x0] =	vst.idx.msk $0xffff, v13  }
0x5b: {  	v61 =	vor.u32 $0x5, v11;
	v13 =	vand.u32 $0x2FF8, v60;
	v12 =	vld.idx.msk [tilespmem:v12+s3+$0x0], $0xffff  }
0x5c: {  	v13 =	vor.u32 v1, v13;
	_ =	sdelay $0x3  }
0x5d: {  	v62 =	vadd.s32 s12, v10;
	[tilespmem:v61+s8+$0x0] =	vst.idx.msk $0xffff, v12  }
0x5e: {  	v63 =	vor.u32 $0x6, v11;
	v12 =	vand.u32 $0x2FF8, v62;
	v13 =	vld.idx.msk [tilespmem:v13+s3+$0x0], $0xffff  }
0x5f: {  	v12 =	vor.u32 v4, v12;
	_ =	sdelay $0x3  }
0x60: {  	[tilespmem:v63+s8+$0x0] =	vst.idx.msk $0xffff, v13  }
0x61: {  	v11 =	vor.u32 $0x7, v11;
	v12 =	vld.idx.msk [tilespmem:v12+s3+$0x0], $0xffff;
	_ =	sdelay $0x2  }
0x62: {  	s10 =	sadd.s32 $0x1, s10  }
0x63: {  	p0 =	sne.s32 s10, $0x48  }
.Ltmp1:
0x64: {  	s11 =	sadd.s32 s4, s11;
	[tilespmem:v11+s8+$0x0] =	vst.idx.msk $0xffff, v12;
	(pc) =	sbr.rel @p0 .LBB2_2-.Ltmp1, $4  }
0x65: {  	[hbm4b:s11+s3] =	stream.linear.scatter [tilespmem:s8], [sflag:$0x1], $0x3000, $0x38;
	[tilespmem:$0x5A68] =	vst v63  }
0x66: {  	_ =	swait.ge [sflag:s7], $0x3000  }
0x67: {  	[sflag:s7] =	ssyncset.done $0x0  }
0x68: {  	[sflag:s7] =	ssyncadd.s32 $0xFFFFD000  }
0x69: {  	s9 =	sadd.s32 $0x1, s9  }
0x6a: {  	p0 =	sne.s32 s9, s6  }
.Ltmp2:
0x6b: {  	_ = 	snop;
	(pc) =	sbr.rel @p0 .LBB2_1-.Ltmp2, $1  }
0x6c: {  	_ =	sdelay $0x3  }
0x6d: {  	_ =	sfence.sel $0x180000  }
0x6e: {  	[bflag:$0x0] =	sbarrier.arrive $0xFFFF  }
0x6f: {  	p0 =	sne.s32 s2, $0x0;
	_ =	strace $0x90000047  }
0x70: {  	s0 =	sadd.s32 @!p0 $0x100000, s0;
	[bflag:$0x2] =	sbarrier.arrive $0xFFFF  }
0x71: {  	[sflag:s0] =	ssyncadd.tile.s32 @!p0 $0x1;
	_ =	shalt  }
.Lfunc_end2:
_tile_overlayer_lowered:
.L_overlay_start_2:
0x72: {  	(tag) =	ssettag $0x2  }
0x73: {  	s0 =	rddreg [dreg:$0x0];
	s2 =	stileid.u32  }
0x74: {  	s1 =	rddreg [dreg:$0x1];
	p0 =	sne.s32 s2, $0x0  }
0x75: {  	s3 =	rddreg [dreg:$0x2];
	[bflag:$0x3] =	sbarrier.arrive $0xFFFF;
	s2 =	simm.s32 @!p0 $0x1C01  }
0x76: {  	[timem:s3], [sflag:s2] =	dma.local @!p0 [hbm:s0], s1  }
0x77: {  	s0 =	simm.s32 @!p0 $0x1  }
0x78: {  	_ =	swait.ge @!p0 [sflag:s0], s1  }
0x79: {  	s1 =	ssub.s32 @!p0 $0x0, s1;
	[sflag:s0] =	ssyncset.done @!p0 $0x0  }
0x7a: {  	[sflag:s0] =	ssyncadd.s32 @!p0 s1  }
0x7b: {  	[bflag:$0x3] =	sbarrier.arrive $0xFFFF  }
0x7c: {  	_ =	shalt  }

// kernel: kernel.7.cloned.1.call-start
scs
__scs_entry_jumppad:
0x0: {  	(pc) =	sbr.rel $0x88, $3  }
0x1: {  	(tag) =	ssettag $0x0;
	lr =	simm.s32 $0x1  }
0x2: {  	[smem:$0x3F9F] =	sst lr;
	_ =	strace $0xD0000000  }
0x3: {  	_ = 	snop  }
0x4: {  	_ = 	snop  }
0x5: {  	_ = 	snop  }
0x6: {  	_ = 	snop  }
0x7: {  	_ = 	snop  }
__scs_overlays_trampoline_lowered:
0x8: {  	[smem:$0x3FAE] =	sst s0  }
0x9: {  	[smem:$0x3FAF] =	sst s1  }
0xa: {  	[smem:$0x3FB0] =	sst s2  }
0xb: {  	[smem:$0x3FB1] =	sst s3  }
0xc: {  	[smem:$0x3FB2] =	sst s4  }
0xd: {  	[smem:$0x3FB3] =	sst s5  }
0xe: {  	[smem:$0x3FB4] =	sst s6  }
0xf: {  	[smem:$0x3FB5] =	sst s7  }
0x10: {  	[smem:$0x3FB6] =	sst s8  }
0x11: {  	[smem:$0x3FB7] =	sst s9;
	s0 =	simm.s32 @!p0 $0x0  }
0x12: {  	s1 =	sld [smem:$0x3F9D];
	s0 =	simm.s32 @p0 $0x1  }
0x13: {  	[smem:$0x3FB8] =	sst s0;
	s0 =	simm.s32 @!p1 $0x0  }
0x14: {  	s2 =	sld [smem:$0x3F9C];
	s0 =	simm.s32 @p1 $0x1  }
0x15: {  	[smem:$0x3FB9] =	sst s0;
	s0 =	simm.s32 @!p2 $0x0  }
0x16: {  	s3 =	sld [smem:$0x3FDB];
	s0 =	simm.s32 @p2 $0x1  }
0x17: {  	s4 =	simm.s32 $0x1BF5;
	[smem:$0x3FBB] =	sst s0  }
0x18: {  	s0 =	sld [smem:$0x3F9E];
	_ =	swait.ge [sflag:s4], $0x0  }
0x19: {  	s7 =	sld [smem:$0x3F9F]  }
0x1a: {  	s8 =	sadd.s32 $0xFFFFE003, lr  }
0x1b: {  	s9 =	sadd.s32 $0xFFFFFEF7, lr;
	s5 =	simm.s32 $0xFFFFFFFF;
	p2 =	slt.u32 s8, $0xFFFFF086  }
0x1c: {  	p1 =	slt.u32 s9, $0xF7A;
	s5 =	simm.s32 @!p2 $0x0  }
0x1d: {  	s5 =	simm.s32 @p1 $0x1;
	p0 =	seq.s32 s7, s2  }
0x1e: {  	s7 =	smul.u32 @!p0 $0xF7A, s2;
	p2 =	seq.s32 @!p0 s5, $0x0  }
0x1f: {  	s9 =	smul.u32 $0xF7A, s1;
	s8 =	simm.s32 @!p0 $0x1BF5;
	p2 =	por !p2, p0  }
0x20: {  	[sflag:s8] =	ssyncset.s32 @!p0 $0xFFFFF086;
	s6 =	sadd.s32 @!p0 s3, s7;
	s7 =	simm.s32 @!p0 $0x108  }
0x21: {  	s3 =	sadd.s32 s3, s9;
	s6 =	sadd.s32 @!p0 $0x88, s6;
	s7 =	simm.s32 @p2 $0x1082  }
0x22: {  	[simem:s7], [sflag:s8] =	dma.local @!p0 [hbm:s6], $0xF7A  }
0x23: {  	s9 =	sor.u32 $0xD0000000, s2;
	s6 =	simm.s32 $0x108;
	_ =	swait.ge @!p0 [sflag:s8], $0x0  }
0x24: {  	s3 =	sadd.s32 $0x88, s3;
	s6 =	simm.s32 @!p1 $0x1082;
	[sflag:s4] =	ssyncset.s32 $0xFFFFF086  }
0x25: {  	[simem:s6], [sflag:s4] =	dma.local [hbm:s3], $0xF7A  }
0x26: {  	[smem:$0x3F9F] =	sst s1;
	(tag) =	ssettag s2;
	_ =	strace s9  }
0x27: {  	s1 =	sld [smem:$0x3FAF]  }
0x28: {  	s2 =	sld [smem:$0x3FB0]  }
0x29: {  	s4 =	sld [smem:$0x3FB2]  }
0x2a: {  	p0 =	seq.s32 s5, $0x0;
	s5 =	sld [smem:$0x3FB3]  }
0x2b: {  	s6 =	sld [smem:$0x3FB4]  }
0x2c: {  	s7 =	sld [smem:$0x3FB5]  }
0x2d: {  	s3 =	simm.s32 $0x108;
	s8 =	sld [smem:$0x3FB6]  }
0x2e: {  	s3 =	simm.s32 @!p0 $0x1082;
	s9 =	sld [smem:$0x3FB7]  }
0x2f: {  	lr =	sadd.s32 s0, s3;
	s0 =	sld [smem:$0x3FAE]  }
0x30: {  	s3 =	sld [smem:$0x3FB1]  }
0x31: {  	[smem:$0x3FBA] =	sst s10  }
0x32: {  	s10 =	sld [smem:$0x3FB8];
	_ =	sdelay $0x3  }
0x33: {  	p0 =	seq.s32 s10, $0x1;
	s10 =	sld [smem:$0x3FBA];
	_ =	sdelay $0x3  }
0x34: {  	[smem:$0x3FBA] =	sst s10  }
0x35: {  	s10 =	sld [smem:$0x3FB9];
	_ =	sdelay $0x3  }
0x36: {  	p1 =	seq.s32 s10, $0x1;
	s10 =	sld [smem:$0x3FBA];
	_ =	sdelay $0x3  }
0x37: {  	[smem:$0x3FBA] =	sst s10  }
0x38: {  	s10 =	sld [smem:$0x3FBB]  }
0x39: {  	_ = 	snop;
	(pc) =	sbr.ind lr, $3  }
0x3a: {  	_ = 	snop  }
0x3b: {  	_ = 	snop  }
0x3c: {  	p2 =	seq.s32 s10, $0x1;
	s10 =	sld [smem:$0x3FBA]  }
0x3d: {  	_ =	shalt  }
0x3e: {  	_ =	shalt  }
0x3f: {  	_ =	shalt  }
0x40: {  	_ =	shalt  }
0x41: {  	_ =	shalt  }
0x42: {  	_ =	shalt  }
0x43: {  	_ =	shalt  }
0x44: {  	_ =	shalt  }
0x45: {  	_ =	shalt  }
0x46: {  	_ =	shalt  }
0x47: {  	_ =	shalt  }
0x48: {  	_ =	shalt  }
0x49: {  	_ =	shalt  }
0x4a: {  	_ =	shalt  }
0x4b: {  	_ =	shalt  }
0x4c: {  	_ =	shalt  }
0x4d: {  	_ =	shalt  }
0x4e: {  	_ =	shalt  }
0x4f: {  	_ =	shalt  }
0x50: {  	_ =	shalt  }
0x51: {  	_ =	shalt  }
0x52: {  	_ =	shalt  }
0x53: {  	_ =	shalt  }
0x54: {  	_ =	shalt  }
0x55: {  	_ =	shalt  }
0x56: {  	_ =	shalt  }
0x57: {  	_ =	shalt  }
0x58: {  	_ =	shalt  }
0x59: {  	_ =	shalt  }
0x5a: {  	_ =	shalt  }
0x5b: {  	_ =	shalt  }
0x5c: {  	_ =	shalt  }
0x5d: {  	_ =	shalt  }
0x5e: {  	_ =	shalt  }
0x5f: {  	_ =	shalt  }
0x60: {  	_ =	shalt  }
0x61: {  	_ =	shalt  }
0x62: {  	_ =	shalt  }
0x63: {  	_ =	shalt  }
0x64: {  	_ =	shalt  }
0x65: {  	_ =	shalt  }
0x66: {  	_ =	shalt  }
0x67: {  	_ =	shalt  }
0x68: {  	_ =	shalt  }
0x69: {  	_ =	shalt  }
0x6a: {  	_ =	shalt  }
0x6b: {  	_ =	shalt  }
0x6c: {  	_ =	shalt  }
0x6d: {  	_ =	shalt  }
0x6e: {  	_ =	shalt  }
0x6f: {  	_ =	shalt  }
0x70: {  	_ =	shalt  }
0x71: {  	_ =	shalt  }
0x72: {  	_ =	shalt  }
0x73: {  	_ =	shalt  }
0x74: {  	_ =	shalt  }
0x75: {  	_ =	shalt  }
0x76: {  	_ =	shalt  }
0x77: {  	_ =	shalt  }
0x78: {  	_ =	shalt  }
0x79: {  	_ =	shalt  }
0x7a: {  	_ =	shalt  }
0x7b: {  	_ =	shalt  }
0x7c: {  	_ =	shalt  }
0x7d: {  	_ =	shalt  }
0x7e: {  	_ =	shalt  }
0x7f: {  	_ =	shalt  }
0x80: {  	_ =	shalt  }
0x81: {  	_ =	shalt  }
0x82: {  	_ =	shalt  }
0x83: {  	_ =	shalt  }
0x84: {  	_ =	shalt  }
0x85: {  	_ =	shalt  }
0x86: {  	_ =	shalt  }
0x87: {  	_ =	shalt  }
.Lfunc_end0:
.L_simem_size_0:
called_computation.1_lowered:
.L_overlay_start_0:
0x88: {  	s2 =	sld [smem:$0x3FD9]  }
0x89: {  	s3 =	sld [smem:$0x3FFE];
	_ =	sdelay $0x1  }
0x8a: {  	s1 =	srdreg.scid  }
0x8b: {  	s0 =	sand.u32 $0x1, s1  }
0x8c: {  	s16 =	sshll.u32 s0, $0xA;
	s2 =	sadd.s32 s3, s2  }
0x8d: {  	s2 =	sadd.s32 s2, s16  }
0x8e: {  	[smem:$0x3FC6] =	sst s2  }
0x8f: {  	_ = 	snop  }
0x90: {  	(tm) =	ssettm $0x1  }
0x91: {  	s17 =	sld [smem:$0x3FFB];
	_ =	sdelay $0x3  }
0x92: {  	_ =	strace s17  }
0x93: {  	s2 =	sld [smem:$0x3FFC];
	_ =	sdelay $0x3  }
0x94: {  	_ =	strace s2  }
0x95: {  	s2 =	sld [smem:$0x3FFD];
	_ =	sdelay $0x3  }
0x96: {  	_ =	strace s2  }
0x97: {  	_ =	strace $0x8FFFFFFF  }
0x98: {  	s18 =	sld [smem:$0x3FDB];
	_ =	sdelay $0x1  }
0x99: {  	s19 =	simm.s32 $_scs_section_size  }
0x9a: {  	s4 =	simm.s32 $_size__tile_overlayer_lowered;
	s5 =	simm.s32 $_tile_overlayer_lowered  }
0x9b: {  	s22 =	simm.s32 $0x1BFF;
	s21 =	sshll.u32 s5, $0x1;
	s2 =	sadd.s32 s19, s18  }
0x9c: {  	s6 =	simm.s32 $0x0;
	s20 =	sshll.u32 s4, $0x1;
	s4 =	sadd.s32 s21, s2  }
0x9d: {  	[timem:s6], [sflag:s22] =	dma.local [hbm:s4], s20  }
0x9e: {  	_ =	swait.ge [sflag:s22], s20  }
0x9f: {  	s3 =	ssub.s32 $0x0, s20;
	[sflag:s22] =	ssyncset.done $0x0  }
0xa0: {  	[sflag:s22] =	ssyncadd.s32 s3;
	_ =	sdelay $0x1  }
0xa1: {  	s23 =	simm.s32 $0x1B8B  }
0xa2: {  	_ =	swait.ge [sflag:s23], $0x1  }
0xa3: {  	[sflag:s23] =	ssyncset.done $0x0  }
0xa4: {  	s25 =	simm.s32 $0x1B8E;
	s24 =	sld [smem:$0x3FFE];
	[sflag:s23] =	ssyncadd.s32 $0xFFFFFFFF  }
0xa5: {  	s26 =	simm.s32 $execute0_lowered;
	[smem:$0x3FD2] =	sst s25  }
0xa6: {  	s4 =	sshll.u32 s26, $0x1;
	_ =	strace $0x80000049;
	[dreg:$0x1] =	wrdreg $0xFFFFFFFF  }
0xa7: {  	s28 =	simm.s32 $_size_execute0_lowered;
	s2 =	sadd.s32 s2, s4;
	[dreg:$0x0] =	wrdreg $0x0  }
0xa8: {  	s4 =	sshll.u32 s28, $0x1;
	[dreg:$0x2] =	wrdreg s2  }
0xa9: {  	[dreg:$0x3] =	wrdreg s4  }
0xaa: {  	[dreg:$0x4] =	wrdreg $0xC0  }
0xab: {  	_ =	task [dreg:s6], $0x5FFFF  }
0xac: {  	[dreg:$0x1] =	wrdreg $0xFFFFFFFF  }
0xad: {  	[dreg:$0x0] =	wrdreg $0x60  }
0xae: {  	[dreg:$0x2] =	wrdreg s24  }
0xaf: {  	[dreg:$0x3] =	wrdreg $0x9  }
0xb0: {  	_ =	task.clear_ibuf [dreg:s6], $0x4FFFF;
	_ =	strace $0x90000049  }
0xb1: {  	s29 =	simm.s32 $0x9;
	_ =	strace $0x8000004B  }
0xb2: {  	_ =	swait.ge [sflag:s29], $0x1  }
0xb3: {  	[sflag:s29] =	ssyncadd.s32 $0xFFFFFFFF  }
0xb4: {  	_ =	strace $0x9000004B  }
0xb5: {  	_ =	sfence  }
0xb6: {  	s30 =	sld [smem:$0x0];
	_ =	sdelay $0x2  }
0xb7: {  	s31 =	sshll.u32 s1, $0xD;
	s1 =	sshrl.u32 s1, $0x2  }
0xb8: {  	s3 =	sand.u32 $0x4000, s31;
	s1 =	sadd.s32 s1, s30  }
0xb9: {  	s0 =	sor.u32 s3, s0;
	s1 =	sshll.u32 s1, $0x11  }
0xba: {  	s0 =	sor.u32 s1, s0  }
0xbb: {  	s0 =	sadd.s32 $0x8F2B, s0  }
0xbc: {  	[sflag:s0] =	ssyncadd.remote.s32 $0x1  }
0xbd: {  	_ =	sfence.sel $0xFFFF  }
0xbe: {  	[dreg:$0x0] =	wrdreg $0xFFFFFFFF;
	(pc) =	sbr.abs _section_cstart, $3  }
0xbf: {  	[dreg:$0x1] =	wrdreg $0xFFFFFFFF  }
0xc0: {  	_ =	task.clear_ibuf [dreg:s6], $0x2FFFF;
	_ =	strace $0x9FFFFFFF  }
0xc1: {  	(tm) =	ssettm $0x7FFFFFFF  }
tec
execute0_lowered:
.L_overlay_start_1:
0x0: {  	(tag) =	ssettag $0x1  }
0x1: {  	s0 =	rddreg [dreg:$0x0];
	s2 =	simm.s32 $0x0;
	s1 =	srdreg.scid  }
0x2: {  	s9 =	stileid.u32;
	s15 =	simm.s32 $0x3;
	s16 =	simm.s32 $0x600  }
0x3: {  	s17 =	simm.s32 $0xC00;
	s18 =	simm.s32 $0x2400;
	s19 =	simm.s32 $0x9000  }
0x4: {  	s20 =	simm.s32 $0x1200;
	s21 =	simm.s32 $0x1800;
	s22 =	simm.s32 $0x1E00  }
0x5: {  	s23 =	simm.s32 $0x2A00;
	s28 =	simm.s32 $0x2;
	s29 =	simm.s32 $0x0  }
0x6: {  	s30 =	simm.s32 $0x0;
	[smem:$0x7FF] =	sst s2;
	s1 =	sand.u32 $0x1, s1  }
0x7: {  	s5 =	sshll.u32 s9, $0x1;
	s3 =	sadd.s32 $0xA00, s0;
	s4 =	sadd.s32 $0x438A00, s0  }
0x8: {  	s7 =	sadd.s32 $0x360A00, s0;
	s8 =	sadd.s32 $0x4A4A00, s0;
	s6 =	sor.u32 s1, s5  }
0x9: {  	s25 =	sshrl.u32 s9, $0x2;
	s1 =	ssub.s32 $0x2, s1;
	s6 =	smul.u32 $0x1B000, s6  }
0xa: {  	_ =	strace $0x8000004A;
	s5 =	sadd.s32 $0x3CCA00, s0;
	s24 =	sshrl.u32 s1, $0x1  }
0xb: {  	s0 =	ssub.s32 s1, s24;
	s1 =	smul.u32 $0xD8000, s25;
	s26 =	sshrl.u32 s6, $0x3  }
0xc: {  	s24 =	simm.s32 $0xC000;
	s25 =	simm.s32 $0x1;
	s10 =	sadd.s32 s4, s26  }
0xd: {  	s12 =	sor.u32 $0x600, s6;
	s31 =	sadd.s32 s5, s26;
	[dreg:$0x2] =	wrdreg s10  }
0xe: {  	v2 =	vlaneseq.u32;
	s13 =	sor.u32 $0xC00, s6;
	s9 =	sadd.s32 s7, s26;
	[dreg:$0x3] =	wrdreg s31  }
0xf: {  	v1 =	vimm.f32 $0.0e+00;
	v2 =	vmul.u32 $0x8, v2;
	s14 =	smax.u32 s0, $0x1;
	v0 =	vmov s1;
	s26 =	simm.s32 $0xF000;
	[dreg:$0x4] =	wrdreg s9  }
.LBB2_1:
0x10: {  	s0 =	rddreg [dreg:$0x2]  }
0x11: {  	[tilespmem:s2], [sflag:$0x3] =	stream.linear.gather [hbm4b:s0+s2], $0x600, $0x38;
	[tilespmem:$0xF600] =	vst v63  }
0x12: {  	_ =	swait.ge [sflag:s15], $0x600  }
0x13: {  	[sflag:s15] =	ssyncset.done $0x0  }
0x14: {  	s11 =	rddreg [dreg:$0x3];
	[sflag:s15] =	ssyncadd.s32 $0xFFFFFA00  }
0x15: {  	[tilespmem:s16], [sflag:$0x3] =	stream.linear.gather [hbm4b:s11+s2], $0x600, $0x38;
	[tilespmem:$0xF600] =	vst v63  }
0x16: {  	_ =	swait.ge [sflag:s15], $0x600  }
0x17: {  	[sflag:s15] =	ssyncset.done $0x0  }
0x18: {  	s31 =	rddreg [dreg:$0x4];
	[sflag:s15] =	ssyncadd.s32 $0xFFFFFA00  }
0x19: {  	[tilespmem:s17], [sflag:$0x3] =	stream.linear.gather [hbm4b:s31+s2], $0x600, $0x38;
	[tilespmem:$0xF600] =	vst v63  }
0x1a: {  	_ =	swait.ge [sflag:s15], $0x600  }
0x1b: {  	[sflag:s15] =	ssyncset.done $0x0  }
0x1c: {  	s0 =	simm.s32 $0x0;
	[sflag:s15] =	ssyncadd.s32 $0xFFFFFA00  }
0x1d: {  	v4 =	vld [tilespmem:s0+$0x0]  }
0x1e: {  	v6 =	vld [tilespmem:s0+$0xC00];
	_ =	sdelay $0x1  }
0x1f: {  	v7 =	vld [tilespmem:s0+$0x600];
	_ =	sdelay $0x2  }
0x20: {  	vm0 =	vle.f32 v4, $9.500000000e+01;
	vm1 =	vge.f32 v6, $0.0e+00;
	v3 =	vmax.f32 v6, $0.0e+00  }
0x21: {  	vm2 =	vge.f32 v4, $0.0e+00;
	v5 =	vmax.f32 v4, $0.0e+00;
	v3 =	vmin.f32 v3, $9.500000000e+01  }
0x22: {  	v8 =	vmax.f32 v7, $0.0e+00;
	v5 =	vmin.f32 v5, $9.500000000e+01;
	v3 =	vtrunc.f32 v3  }
0x23: {  	v8 =	vmin.f32 v8, $9.500000000e+01;
	v5 =	vtrunc.f32 v5;
	v3 =	vcvt.f32.s32 v3  }
0x24: {  	vm3 =	vge.f32 v7, $0.0e+00;
	v8 =	vtrunc.f32 v8;
	v5 =	vcvt.f32.s32 v5  }
0x25: {  	vm2 =	vmand vm2, vm3;
	v9 =	vcvt.f32.s32 v8;
	v8 =	vcvt.s32.f32 v3  }
0x26: {  	vm14 =	vle.f32 v7, $9.500000000e+01;
	vm0 =	vmand vm2, vm0;
	v10 =	vcvt.s32.f32 v5  }
0x27: {  	vm0 =	vmand vm14, vm0;
	v11 =	vcvt.s32.f32 v9;
	v8 =	vsub.f32 v6, v8  }
0x28: {  	vm15 =	vle.f32 v6, $9.500000000e+01;
	vm0 =	vmand vm1, vm0;
	v4 =	vsub.f32 v4, v10  }
0x29: {  	vm0 =	vmand vm15, vm0;
	v7 =	vsub.f32 v7, v11;
	v6 =	vadd.f32 $-1.000000000e+00, v8  }
0x2a: {  	v12 =	vsel vm0, $0x3F800000, v1;
	v13 =	vadd.f32 $-1.000000000e+00, v4;
	v8 =	vand.u32 $0x7FFFFFFF, v8  }
0x2b: {  	v4 =	vand.u32 $0x7FFFFFFF, v4;
	v14 =	vand.u32 $0x7FFFFFFF, v7;
	v10 =	vand.u32 $0x7FFFFFFF, v6  }
0x2c: {  	v15 =	vadd.f32 $-1.000000000e+00, v7;
	v6 =	vmul.f32 v12, v4;
	v11 =	vmul.f32 v10, v14  }
0x2d: {  	s1 =	simm.s32 $0x10;
	v9 =	vmul.u32 $0x60, v9;
	v7 =	vmul.f32 v8, v14;
	v13 =	vand.u32 $0x7FFFFFFF, v13  }
0x2e: {  	s9 =	simm.s32 $0x80;
	v4 =	vld [tilespmem:s1+$0x0];
	v12 =	vmul.f32 v12, v13;
	v14 =	vand.u32 $0x7FFFFFFF, v15;
	v13 =	vmul.f32 v11, v6  }
.LBB2_2:
0x2f: {  	p0 =	sne.s32 s9, $0x17C0;
	v15 =	vld [tilespmem:s1+$0xC00];
	v10 =	vmul.f32 v10, v14;
	v8 =	vmul.f32 v8, v14;
	v3 =	vmul.u32 $0x2400, v3  }
0x30: {  	v5 =	vadd.s32 v5, v0;
	v11 =	vmul.f32 v11, v12;
	v14 =	vmul.f32 v7, v12;
	[tilespmem:s0+$0x5400] =	vst v13  }
0x31: {  	v5 =	vadd.s32 v9, v5;
	v13 =	vld [tilespmem:s1+$0x600];
	v9 =	vmul.f32 v10, v12;
	v12 =	vmul.f32 v8, v12  }
0x32: {  	v16 =	vadd.s32 v3, v5;
	v3 =	vmul.f32 v10, v6;
	v5 =	vmul.f32 v8, v6;
	[tilespmem:s0+$0x3C00] =	vst v11  }
0x33: {  	v6 =	vmul.f32 v7, v6;
	[tilespmem:s0+$0x3000] =	vst v9  }
0x34: {  	vm1 =	vle.f32 v4, $9.500000000e+01;
	vm0 =	vge.f32 v15, $0.0e+00;
	v7 =	vmax.f32 v15, $0.0e+00;
	[tilespmem:s0+$0x3600] =	vst v12  }
0x35: {  	vm2 =	vge.f32 v4, $0.0e+00;
	v8 =	vmax.f32 v4, $0.0e+00;
	v7 =	vmin.f32 v7, $9.500000000e+01;
	[tilespmem:s0+$0x4200] =	vst v14  }
0x36: {  	v8 =	vmin.f32 v8, $9.500000000e+01;
	v9 =	vmax.f32 v13, $0.0e+00;
	v7 =	vtrunc.f32 v7;
	[tilespmem:s0+$0x4800] =	vst v3  }
0x37: {  	v8 =	vtrunc.f32 v8;
	v9 =	vmin.f32 v9, $9.500000000e+01;
	v3 =	vcvt.f32.s32 v7;
	[tilespmem:s0+$0x4E00] =	vst v5  }
0x38: {  	vm3 =	vge.f32 v13, $0.0e+00;
	v5 =	vcvt.f32.s32 v8;
	v7 =	vtrunc.f32 v9;
	[tilespmem:s0+$0x5A00] =	vst v6  }
0x39: {  	vm2 =	vmand vm2, vm3;
	v9 =	vcvt.f32.s32 v7;
	v6 =	vcvt.s32.f32 v3;
	[tilespmem:s0+$0x2400] =	vst v16;
	s0 =	smov.u32 s1  }
0x3a: {  	vm1 =	vmand vm2, vm1;
	vm2 =	vle.f32 v13, $9.500000000e+01;
	v7 =	vcvt.s32.f32 v5  }
0x3b: {  	vm1 =	vmand vm2, vm1;
	v8 =	vcvt.s32.f32 v9;
	v6 =	vsub.f32 v15, v6  }
0x3c: {  	vm0 =	vmand vm0, vm1;
	vm1 =	vle.f32 v15, $9.500000000e+01;
	v4 =	vsub.f32 v4, v7  }
0x3d: {  	vm0 =	vmand vm1, vm0;
	v7 =	vsub.f32 v13, v8;
	v10 =	vadd.f32 $-1.000000000e+00, v6  }
.Ltmp0:
0x3e: {  	v12 =	vsel vm0, $0x3F800000, v1;
	v13 =	vadd.f32 $-1.000000000e+00, v4;
	v8 =	vand.u32 $0x7FFFFFFF, v6;
	(pc) =	sbr.rel @p0 .LBB2_2-.Ltmp0, $4  }
0x3f: {  	v4 =	vand.u32 $0x7FFFFFFF, v4;
	v14 =	vand.u32 $0x7FFFFFFF, v7;
	v10 =	vand.u32 $0x7FFFFFFF, v10  }
0x40: {  	v6 =	vmul.f32 v12, v4;
	v15 =	vadd.f32 $-1.000000000e+00, v7;
	v11 =	vmul.f32 v10, v14  }
0x41: {  	s1 =	sshra.s32 s9, $0x2;
	v9 =	vmul.u32 $0x60, v9;
	v13 =	vand.u32 $0x7FFFFFFF, v13;
	v7 =	vmul.f32 v8, v14  }
0x42: {  	s9 =	sadd.s32 $0x40, s9;
	v12 =	vmul.f32 v12, v13;
	v14 =	vand.u32 $0x7FFFFFFF, v15;
	v4 =	vld [tilespmem:s1+$0x0];
	v13 =	vmul.f32 v11, v6  }
0x43: {  	v15 =	vld [tilespmem:s1+$0xC00]  }
0x44: {  	v10 =	vmul.f32 v10, v14;
	v8 =	vmul.f32 v8, v14;
	v5 =	vadd.s32 v5, v0;
	[tilespmem:s0+$0x5400] =	vst v13  }
0x45: {  	v44 =	vmul.f32 v7, v6;
	v3 =	vmul.u32 $0x2400, v3;
	v11 =	vmul.f32 v11, v12;
	v40 =	vld [tilespmem:s1+$0x600]  }
0x46: {  	v39 =	vmul.f32 v7, v12;
	v5 =	vadd.s32 v9, v5;
	v16 =	vmul.f32 v10, v12  }
0x47: {  	v41 =	vmul.f32 v8, v12;
	v10 =	vmul.f32 v10, v6;
	v3 =	vadd.s32 v3, v5  }
0x48: {  	vm0 =	vle.f32 v4, $9.500000000e+01;
	v17 =	vmax.f32 v4, $0.0e+00;
	v42 =	vmax.f32 v15, $0.0e+00  }
0x49: {  	vm2 =	vge.f32 v4, $0.0e+00;
	vm1 =	vge.f32 v15, $0.0e+00;
	v12 =	vmin.f32 v42, $9.500000000e+01  }
0x4a: {  	v17 =	vmin.f32 v17, $9.500000000e+01;
	v12 =	vtrunc.f32 v12;
	v18 =	vmax.f32 v40, $0.0e+00  }
0x4b: {  	v17 =	vtrunc.f32 v17;
	v12 =	vcvt.f32.s32 v12;
	v18 =	vmin.f32 v18, $9.500000000e+01  }
0x4c: {  	vm3 =	vge.f32 v40, $0.0e+00;
	v17 =	vcvt.f32.s32 v17;
	v18 =	vtrunc.f32 v18  }
0x4d: {  	vm2 =	vmand vm2, vm3;
	v19 =	vcvt.s32.f32 v12;
	v18 =	vcvt.f32.s32 v18  }
0x4e: {  	vm14 =	vle.f32 v40, $9.500000000e+01;
	vm0 =	vmand vm2, vm0;
	v20 =	vcvt.s32.f32 v17  }
0x4f: {  	vm0 =	vmand vm14, vm0;
	v19 =	vsub.f32 v15, v19;
	v43 =	vcvt.s32.f32 v18  }
0x50: {  	[tilespmem:s0+$0x5A00] =	vst v44;
	vm15 =	vle.f32 v15, $9.500000000e+01;
	vm0 =	vmand vm1, vm0;
	v45 =	vsub.f32 v4, v20  }
0x51: {  	[tilespmem:s0+$0x3C00] =	vst v11;
	vm0 =	vmand vm15, vm0;
	v46 =	vsub.f32 v40, v43;
	v47 =	vadd.f32 $-1.000000000e+00, v19  }
0x52: {  	[tilespmem:s0+$0x4200] =	vst v39;
	v48 =	vsel vm0, $0x3F800000, v1;
	v49 =	vadd.f32 $-1.000000000e+00, v45;
	v4 =	vand.u32 $0x7FFFFFFF, v45  }
0x53: {  	[tilespmem:s0+$0x2400] =	vst v3;
	v4 =	vmul.f32 v48, v4;
	v50 =	vand.u32 $0x7FFFFFFF, v46;
	v11 =	vand.u32 $0x7FFFFFFF, v47  }
0x54: {  	[tilespmem:s0+$0x3000] =	vst v16;
	v14 =	vand.u32 $0x7FFFFFFF, v49;
	v7 =	vadd.f32 $-1.000000000e+00, v46;
	v51 =	vmul.f32 v11, v50  }
0x55: {  	v8 =	vmul.f32 v8, v6;
	[tilespmem:s0+$0x3600] =	vst v41;
	v53 =	vand.u32 $0x7FFFFFFF, v19;
	v52 =	vmul.f32 v48, v14  }
0x56: {  	[tilespmem:s0+$0x4800] =	vst v10;
	v6 =	vmul.f32 v53, v50;
	v7 =	vand.u32 $0x7FFFFFFF, v7;
	v54 =	vmul.f32 v51, v4  }
0x57: {  	[tilespmem:s0+$0x4E00] =	vst v8;
	v55 =	vmul.f32 v11, v7;
	v56 =	vmul.f32 v51, v52  }
0x58: {  	v3 =	vmul.f32 v53, v7;
	v5 =	vmul.f32 v6, v52;
	[tilespmem:s1+$0x5400] =	vst v54  }
0x59: {  	v57 =	vmul.f32 v55, v52;
	[tilespmem:s1+$0x3C00] =	vst v56  }
0x5a: {  	v58 =	vmul.f32 v3, v52;
	[tilespmem:s1+$0x4200] =	vst v5  }
0x5b: {  	v59 =	vmul.f32 v55, v4;
	[tilespmem:s1+$0x3000] =	vst v57  }
0x5c: {  	v60 =	vmul.u32 $0x60, v18;
	v3 =	vmul.f32 v3, v4;
	[tilespmem:s1+$0x3600] =	vst v58  }
0x5d: {  	v62 =	vadd.s32 v17, v0;
	v61 =	vmul.u32 $0x2400, v12;
	v4 =	vmul.f32 v6, v4;
	[tilespmem:s1+$0x4800] =	vst v59  }
0x5e: {  	v63 =	vadd.s32 v60, v62;
	[tilespmem:s1+$0x4E00] =	vst v3  }
0x5f: {  	v3 =	vadd.s32 v61, v63;
	[tilespmem:s1+$0x5A00] =	vst v4  }
0x60: {  	s31 =	simm.s32 $0x0;
	[tilespmem:s1+$0x2400] =	vst v3  }
0x61: {  	[tilespmem:s19], [sflag:$0x1] =	stream.indirect.gather [hbm4b:s3+s16], $0x8, s18, s16, $0xb8;
	[tilespmem:$0xF600] =	vst v63  }
.LBB2_4:
0x62: {  	s1 =	smul.u32 $0xC00, s31;
	_ =	sdelay $0x1  }
0x63: {  	s0 =	sadd.s32 s1, s12  }
0x64: {  	s0 =	sshrl.u32 s0, $0x3  }
0x65: {  	s9 =	sadd.s32 s4, s0  }
0x66: {  	[tilespmem:s20], [sflag:$0x3] =	stream.linear.gather [hbm4b:s9+s30], $0x600, $0x38;
	[tilespmem:$0xF600] =	vst v63  }
0x67: {  	_ =	swait.ge [sflag:s15], $0x600  }
0x68: {  	[sflag:s15] =	ssyncset.done $0x0  }
0x69: {  	s10 =	sadd.s32 s5, s0;
	[sflag:s15] =	ssyncadd.s32 $0xFFFFFA00  }
0x6a: {  	[tilespmem:s21], [sflag:$0x3] =	stream.linear.gather [hbm4b:s10+s30], $0x600, $0x38;
	[tilespmem:$0xF600] =	vst v63  }
0x6b: {  	_ =	swait.ge [sflag:s15], $0x600  }
0x6c: {  	[sflag:s15] =	ssyncset.done $0x0  }
0x6d: {  	s11 =	sadd.s32 s7, s0;
	[sflag:s15] =	ssyncadd.s32 $0xFFFFFA00  }
0x6e: {  	[tilespmem:s22], [sflag:$0x3] =	stream.linear.gather [hbm4b:s11+s30], $0x600, $0x38;
	[tilespmem:$0xF600] =	vst v63  }
0x6f: {  	_ =	swait.ge [sflag:s15], $0x600  }
0x70: {  	[sflag:s15] =	ssyncset.done $0x0  }
0x71: {  	s9 =	simm.s32 $0x0;
	[sflag:s15] =	ssyncadd.s32 $0xFFFFFA00  }
0x72: {  	v4 =	vld [tilespmem:s9+$0x1200]  }
0x73: {  	v6 =	vld [tilespmem:s9+$0x1E00];
	_ =	sdelay $0x1  }
0x74: {  	v7 =	vld [tilespmem:s9+$0x1800];
	_ =	sdelay $0x2  }
0x75: {  	vm0 =	vle.f32 v4, $9.500000000e+01;
	vm1 =	vge.f32 v6, $0.0e+00;
	v3 =	vmax.f32 v6, $0.0e+00  }
0x76: {  	vm2 =	vge.f32 v4, $0.0e+00;
	v5 =	vmax.f32 v4, $0.0e+00;
	v3 =	vmin.f32 v3, $9.500000000e+01  }
0x77: {  	v8 =	vmax.f32 v7, $0.0e+00;
	v5 =	vmin.f32 v5, $9.500000000e+01;
	v3 =	vtrunc.f32 v3  }
0x78: {  	v8 =	vmin.f32 v8, $9.500000000e+01;
	v5 =	vtrunc.f32 v5;
	v3 =	vcvt.f32.s32 v3  }
0x79: {  	vm3 =	vge.f32 v7, $0.0e+00;
	v8 =	vtrunc.f32 v8;
	v5 =	vcvt.f32.s32 v5  }
0x7a: {  	vm2 =	vmand vm2, vm3;
	v9 =	vcvt.f32.s32 v8;
	v8 =	vcvt.s32.f32 v3  }
0x7b: {  	vm14 =	vle.f32 v7, $9.500000000e+01;
	vm0 =	vmand vm2, vm0;
	v10 =	vcvt.s32.f32 v5  }
0x7c: {  	vm0 =	vmand vm14, vm0;
	v11 =	vcvt.s32.f32 v9;
	v8 =	vsub.f32 v6, v8  }
0x7d: {  	vm15 =	vle.f32 v6, $9.500000000e+01;
	vm0 =	vmand vm1, vm0;
	v4 =	vsub.f32 v4, v10  }
0x7e: {  	vm0 =	vmand vm15, vm0;
	v7 =	vsub.f32 v7, v11;
	v6 =	vadd.f32 $-1.000000000e+00, v8  }
0x7f: {  	v12 =	vsel vm0, $0x3F800000, v1;
	v13 =	vadd.f32 $-1.000000000e+00, v4;
	v8 =	vand.u32 $0x7FFFFFFF, v8  }
0x80: {  	v4 =	vand.u32 $0x7FFFFFFF, v4;
	v14 =	vand.u32 $0x7FFFFFFF, v7;
	v10 =	vand.u32 $0x7FFFFFFF, v6  }
0x81: {  	v15 =	vadd.f32 $-1.000000000e+00, v7;
	v6 =	vmul.f32 v12, v4;
	v11 =	vmul.f32 v10, v14  }
0x82: {  	s10 =	simm.s32 $0x10;
	v9 =	vmul.u32 $0x60, v9;
	v7 =	vmul.f32 v8, v14;
	v13 =	vand.u32 $0x7FFFFFFF, v13  }
0x83: {  	s11 =	simm.s32 $0x80;
	v4 =	vld [tilespmem:s10+$0x1200];
	v12 =	vmul.f32 v12, v13;
	v14 =	vand.u32 $0x7FFFFFFF, v15;
	v13 =	vmul.f32 v11, v6  }
.LBB2_5:
0x84: {  	p0 =	sne.s32 s11, $0x17C0;
	v15 =	vld [tilespmem:s10+$0x1E00];
	v10 =	vmul.f32 v10, v14;
	v8 =	vmul.f32 v8, v14;
	v3 =	vmul.u32 $0x2400, v3  }
0x85: {  	v5 =	vadd.s32 v5, v0;
	v11 =	vmul.f32 v11, v12;
	v14 =	vmul.f32 v7, v12;
	[tilespmem:s9+$0x8400] =	vst v13  }
0x86: {  	v5 =	vadd.s32 v9, v5;
	v13 =	vld [tilespmem:s10+$0x1800];
	v9 =	vmul.f32 v10, v12;
	v12 =	vmul.f32 v8, v12  }
0x87: {  	v16 =	vadd.s32 v3, v5;
	v3 =	vmul.f32 v10, v6;
	v5 =	vmul.f32 v8, v6;
	[tilespmem:s9+$0x6C00] =	vst v11  }
0x88: {  	v6 =	vmul.f32 v7, v6;
	[tilespmem:s9+$0x6000] =	vst v9  }
0x89: {  	vm1 =	vle.f32 v4, $9.500000000e+01;
	vm0 =	vge.f32 v15, $0.0e+00;
	v7 =	vmax.f32 v15, $0.0e+00;
	[tilespmem:s9+$0x6600] =	vst v12  }
0x8a: {  	vm2 =	vge.f32 v4, $0.0e+00;
	v8 =	vmax.f32 v4, $0.0e+00;
	v7 =	vmin.f32 v7, $9.500000000e+01;
	[tilespmem:s9+$0x7200] =	vst v14  }
0x8b: {  	v8 =	vmin.f32 v8, $9.500000000e+01;
	v9 =	vmax.f32 v13, $0.0e+00;
	v7 =	vtrunc.f32 v7;
	[tilespmem:s9+$0x7800] =	vst v3  }
0x8c: {  	v8 =	vtrunc.f32 v8;
	v9 =	vmin.f32 v9, $9.500000000e+01;
	v3 =	vcvt.f32.s32 v7;
	[tilespmem:s9+$0x7E00] =	vst v5  }
0x8d: {  	vm3 =	vge.f32 v13, $0.0e+00;
	v5 =	vcvt.f32.s32 v8;
	v7 =	vtrunc.f32 v9;
	[tilespmem:s9+$0x8A00] =	vst v6  }
0x8e: {  	vm2 =	vmand vm2, vm3;
	v9 =	vcvt.f32.s32 v7;
	v6 =	vcvt.s32.f32 v3;
	[tilespmem:s9+$0x2A00] =	vst v16;
	s9 =	smov.u32 s10  }
0x8f: {  	vm1 =	vmand vm2, vm1;
	vm2 =	vle.f32 v13, $9.500000000e+01;
	v7 =	vcvt.s32.f32 v5  }
0x90: {  	vm1 =	vmand vm2, vm1;
	v8 =	vcvt.s32.f32 v9;
	v6 =	vsub.f32 v15, v6  }
0x91: {  	vm0 =	vmand vm0, vm1;
	vm1 =	vle.f32 v15, $9.500000000e+01;
	v4 =	vsub.f32 v4, v7  }
0x92: {  	vm0 =	vmand vm1, vm0;
	v7 =	vsub.f32 v13, v8;
	v10 =	vadd.f32 $-1.000000000e+00, v6  }
.Ltmp1:
0x93: {  	v12 =	vsel vm0, $0x3F800000, v1;
	v13 =	vadd.f32 $-1.000000000e+00, v4;
	v8 =	vand.u32 $0x7FFFFFFF, v6;
	(pc) =	sbr.rel @p0 .LBB2_5-.Ltmp1, $4  }
0x94: {  	v4 =	vand.u32 $0x7FFFFFFF, v4;
	v14 =	vand.u32 $0x7FFFFFFF, v7;
	v10 =	vand.u32 $0x7FFFFFFF, v10  }
0x95: {  	v6 =	vmul.f32 v12, v4;
	v15 =	vadd.f32 $-1.000000000e+00, v7;
	v11 =	vmul.f32 v10, v14  }
0x96: {  	s10 =	sshra.s32 s11, $0x2;
	v9 =	vmul.u32 $0x60, v9;
	v13 =	vand.u32 $0x7FFFFFFF, v13;
	v7 =	vmul.f32 v8, v14  }
0x97: {  	s11 =	sadd.s32 $0x40, s11;
	v12 =	vmul.f32 v12, v13;
	v14 =	vand.u32 $0x7FFFFFFF, v15;
	v4 =	vld [tilespmem:s10+$0x1200];
	v13 =	vmul.f32 v11, v6  }
0x98: {  	v15 =	vld [tilespmem:s10+$0x1E00];
	v10 =	vmul.f32 v10, v14  }
0x99: {  	v8 =	vmul.f32 v8, v14;
	v5 =	vadd.s32 v5, v0;
	v11 =	vmul.f32 v11, v12;
	[tilespmem:s9+$0x8400] =	vst v13  }
0x9a: {  	v3 =	vmul.u32 $0x2400, v3;
	v33 =	vmul.f32 v7, v12;
	v34 =	vld [tilespmem:s10+$0x1800];
	v16 =	vmul.f32 v10, v12  }
0x9b: {  	v5 =	vadd.s32 v9, v5;
	v35 =	vmul.f32 v8, v12;
	v10 =	vmul.f32 v10, v6  }
0x9c: {  	v8 =	vmul.f32 v8, v6;
	v6 =	vmul.f32 v7, v6;
	v3 =	vadd.s32 v3, v5  }
0x9d: {  	vm0 =	vle.f32 v4, $9.500000000e+01;
	v17 =	vmax.f32 v4, $0.0e+00;
	v36 =	vmax.f32 v15, $0.0e+00  }
0x9e: {  	vm2 =	vge.f32 v4, $0.0e+00;
	vm1 =	vge.f32 v15, $0.0e+00;
	v12 =	vmin.f32 v36, $9.500000000e+01  }
0x9f: {  	v17 =	vmin.f32 v17, $9.500000000e+01;
	v12 =	vtrunc.f32 v12;
	v18 =	vmax.f32 v34, $0.0e+00  }
0xa0: {  	v17 =	vtrunc.f32 v17;
	v12 =	vcvt.f32.s32 v12;
	v18 =	vmin.f32 v18, $9.500000000e+01  }
0xa1: {  	vm3 =	vge.f32 v34, $0.0e+00;
	v17 =	vcvt.f32.s32 v17;
	v18 =	vtrunc.f32 v18  }
0xa2: {  	vm2 =	vmand vm2, vm3;
	v19 =	vcvt.s32.f32 v12;
	v18 =	vcvt.f32.s32 v18  }
0xa3: {  	vm14 =	vle.f32 v34, $9.500000000e+01;
	vm0 =	vmand vm2, vm0;
	v20 =	vcvt.s32.f32 v17  }
0xa4: {  	vm0 =	vmand vm14, vm0;
	v19 =	vsub.f32 v15, v19;
	v37 =	vcvt.s32.f32 v18  }
0xa5: {  	[tilespmem:s9+$0x6C00] =	vst v11;
	vm15 =	vle.f32 v15, $9.500000000e+01;
	vm0 =	vmand vm1, vm0;
	v4 =	vsub.f32 v4, v20  }
0xa6: {  	[tilespmem:s9+$0x7200] =	vst v33;
	vm0 =	vmand vm15, vm0;
	v7 =	vsub.f32 v34, v37;
	v38 =	vadd.f32 $-1.000000000e+00, v19  }
0xa7: {  	[tilespmem:s9+$0x2A00] =	vst v3;
	v39 =	vsel vm0, $0x3F800000, v1;
	v40 =	vadd.f32 $-1.000000000e+00, v4;
	v4 =	vand.u32 $0x7FFFFFFF, v4  }
0xa8: {  	[tilespmem:s9+$0x6000] =	vst v16;
	v41 =	vand.u32 $0x7FFFFFFF, v7;
	v11 =	vand.u32 $0x7FFFFFFF, v38;
	v7 =	vadd.f32 $-1.000000000e+00, v7  }
0xa9: {  	[tilespmem:s9+$0x6600] =	vst v35;
	v4 =	vmul.f32 v39, v4;
	v14 =	vand.u32 $0x7FFFFFFF, v40;
	v42 =	vmul.f32 v11, v41  }
0xaa: {  	[tilespmem:s9+$0x7E00] =	vst v8;
	v5 =	vmul.f32 v39, v14;
	v7 =	vand.u32 $0x7FFFFFFF, v7  }
0xab: {  	[tilespmem:s9+$0x8A00] =	vst v6;
	v6 =	vand.u32 $0x7FFFFFFF, v19;
	v8 =	vmul.f32 v42, v4;
	v43 =	vmul.f32 v11, v7  }
0xac: {  	[tilespmem:s9+$0x7800] =	vst v10;
	v3 =	vmul.f32 v6, v7;
	v7 =	vmul.f32 v42, v5  }
0xad: {  	v6 =	vmul.f32 v6, v41;
	[tilespmem:s10+$0x8400] =	vst v8;
	v8 =	vmul.f32 v43, v5  }
0xae: {  	v44 =	vmul.f32 v3, v5;
	[tilespmem:s10+$0x6C00] =	vst v7  }
0xaf: {  	v5 =	vmul.f32 v6, v5;
	[tilespmem:s10+$0x6000] =	vst v8  }
0xb0: {  	v7 =	vmul.f32 v43, v4;
	[tilespmem:s10+$0x6600] =	vst v44  }
0xb1: {  	v3 =	vmul.f32 v3, v4;
	v8 =	vmul.u32 $0x60, v18;
	[tilespmem:s10+$0x7200] =	vst v5  }
0xb2: {  	v45 =	vadd.s32 v17, v0;
	v4 =	vmul.f32 v6, v4;
	v5 =	vmul.u32 $0x2400, v12;
	[tilespmem:s10+$0x7800] =	vst v7  }
0xb3: {  	[tilespmem:s10+$0x7E00] =	vst v3;
	v6 =	vadd.s32 v8, v45  }
0xb4: {  	s11 =	simm.s32 $0x0;
	[tilespmem:s10+$0x8A00] =	vst v4;
	v3 =	vadd.s32 v5, v6  }
0xb5: {  	v4 =	vmov s11;
	[tilespmem:s10+$0x2A00] =	vst v3  }
0xb6: {  	v3 =	vshll.u32 v4, $0x3;
	[tilespmem:s24], [sflag:$0x2] =	stream.indirect.gather [hbm4b:s3+s16], $0x8, s23, s16, $0xb8;
	[tilespmem:$0xF600] =	vst v63  }
0xb7: {  	v3 =	vor.u32 v2, v3;
	_ =	swait.ge [sflag:s25], $0x3000  }
0xb8: {  	v4 =	vor.u32 $0x4, v3;
	[sflag:s25] =	ssyncset.done $0x0  }
0xb9: {  	s10 =	simm.s32 $0x4800;
	[sflag:s25] =	ssyncadd.s32 $0xFFFFD000  }
0xba: {  	v5 =	vor.u32 $0x2, v3;
	v6 =	vld [tilespmem:s10+$0xFFFFE800]  }
0xbb: {  	v46 =	vld [tilespmem:s10+$0xFFFFEE00]  }
0xbc: {  	v8 =	vor.u32 $0x6, v3;
	v7 =	vld.idx.msk [tilespmem:v3+s19+$0x0], $0xffff  }
0xbd: {  	v4 =	vld.idx.msk [tilespmem:v4+s19+$0x0], $0xffff  }
0xbe: {  	v47 =	vor.u32 $0x1, v3;
	v48 =	vld [tilespmem:s10+$0xFFFFF400]  }
0xbf: {  	v5 =	vld.idx.msk [tilespmem:v5+s19+$0x0], $0xffff  }
0xc0: {  	v49 =	vor.u32 $0x5, v3;
	v50 =	vld [tilespmem:s10+$0xFFFFFA00]  }
0xc1: {  	v8 =	vld.idx.msk [tilespmem:v8+s19+$0x0], $0xffff  }
0xc2: {  	v51 =	vor.u32 $0x3, v3;
	v52 =	vld [tilespmem:s10+$0x0];
	v6 =	vmul.f32 v6, v7;
	v4 =	vmul.f32 v46, v4  }
0xc3: {  	v3 =	vor.u32 $0x7, v3;
	v7 =	vld.idx.msk [tilespmem:v47+s19+$0x0], $0xffff  }
0xc4: {  	v53 =	vld [tilespmem:s10+$0x600];
	v5 =	vmul.f32 v48, v5;
	v4 =	vadd.f32 v4, v6  }
0xc5: {  	v6 =	vld.idx.msk [tilespmem:v49+s19+$0x0], $0xffff  }
0xc6: {  	v54 =	vld [tilespmem:s10+$0xC00];
	v4 =	vadd.f32 v5, v4;
	v5 =	vmul.f32 v50, v8  }
0xc7: {  	v8 =	vld.idx.msk [tilespmem:v51+s19+$0x0], $0xffff  }
0xc8: {  	v3 =	vld.idx.msk [tilespmem:v3+s19+$0x0], $0xffff;
	v4 =	vadd.f32 v5, v4;
	v5 =	vmul.f32 v52, v7  }
0xc9: {  	v7 =	vld [tilespmem:s10+$0x1200]  }
0xca: {  	v4 =	vadd.f32 v5, v4;
	v5 =	vmul.f32 v53, v6;
	_ =	sdelay $0x1  }
0xcb: {  	s11 =	simm.s32 $0x10;
	v4 =	vadd.f32 v5, v4;
	v5 =	vmul.f32 v54, v8  }
0xcc: {  	v6 =	vmov s11  }
0xcd: {  	v6 =	vshll.u32 v6, $0x3;
	v3 =	vmul.f32 v7, v3;
	v4 =	vadd.f32 v5, v4  }
0xce: {  	v5 =	vor.u32 v2, v6  }
0xcf: {  	v3 =	vadd.f32 v3, v4  }
0xd0: {  	s9 =	simm.s32 $0xF000;
	v6 =	vor.u32 $0x4, v5  }
0xd1: {  	s10 =	simm.s32 $0x4810;
	[tilespmem:s9+$0x0] =	vst v3  }
0xd2: {  	v4 =	vor.u32 $0x2, v5;
	v3 =	vld [tilespmem:s10+$0xFFFFE800]  }
0xd3: {  	v7 =	vld.idx.msk [tilespmem:v5+s19+$0x0], $0xffff  }
0xd4: {  	v8 =	vor.u32 $0x6, v5;
	v55 =	vld [tilespmem:s10+$0xFFFFEE00]  }
0xd5: {  	v6 =	vld.idx.msk [tilespmem:v6+s19+$0x0], $0xffff  }
0xd6: {  	v56 =	vor.u32 $0x1, v5;
	v57 =	vld [tilespmem:s10+$0xFFFFF400]  }
0xd7: {  	v4 =	vld.idx.msk [tilespmem:v4+s19+$0x0], $0xffff  }
0xd8: {  	v59 =	vld [tilespmem:s10+$0xFFFFFA00]  }
0xd9: {  	v8 =	vld.idx.msk [tilespmem:v8+s19+$0x0], $0xffff  }
0xda: {  	v58 =	vor.u32 $0x5, v5;
	v61 =	vld [tilespmem:s10+$0x0];
	v3 =	vmul.f32 v3, v7;
	v6 =	vmul.f32 v55, v6  }
0xdb: {  	v7 =	vld.idx.msk [tilespmem:v56+s19+$0x0], $0xffff  }
0xdc: {  	v60 =	vor.u32 $0x3, v5;
	v4 =	vmul.f32 v57, v4;
	v3 =	vadd.f32 v6, v3  }
0xdd: {  	v5 =	vor.u32 $0x7, v5  }
0xde: {  	v62 =	vld [tilespmem:s10+$0x600];
	v3 =	vadd.f32 v4, v3;
	v4 =	vmul.f32 v59, v8  }
0xdf: {  	v6 =	vld.idx.msk [tilespmem:v58+s19+$0x0], $0xffff  }
0xe0: {  	v63 =	vld [tilespmem:s10+$0xC00];
	v3 =	vadd.f32 v4, v3;
	v4 =	vmul.f32 v61, v7  }
0xe1: {  	v8 =	vld.idx.msk [tilespmem:v60+s19+$0x0], $0xffff  }
0xe2: {  	v7 =	vadd.f32 v4, v3;
	v3 =	vld.idx.msk [tilespmem:v5+s19+$0x0], $0xffff  }
0xe3: {  	v4 =	vld [tilespmem:s10+$0x1200]  }
0xe4: {  	v6 =	vmul.f32 v62, v6;
	_ =	sdelay $0x1  }
0xe5: {  	s11 =	simm.s32 $0x20;
	v5 =	vadd.f32 v6, v7;
	v6 =	vmul.f32 v63, v8  }
0xe6: {  	v7 =	vmov s11;
	s11 =	simm.s32 $0x30  }
.LBB2_7:
0xe7: {  	p0 =	sne.s32 s11, $0x5F0;
	v7 =	vshll.u32 v7, $0x3;
	v5 =	vadd.f32 v6, v5;
	v3 =	vmul.f32 v4, v3  }
0xe8: {  	v4 =	vor.u32 v2, v7  }
0xe9: {  	v6 =	vor.u32 $0x4, v4;
	v3 =	vadd.f32 v3, v5  }
0xea: {  	s9 =	sadd.s32 $0x10, s9  }
0xeb: {  	s10 =	sadd.s32 $0x10, s10;
	v5 =	vor.u32 $0x2, v4;
	[tilespmem:s9+$0x0] =	vst v3  }
0xec: {  	v3 =	vld [tilespmem:s10+$0xFFFFE800]  }
0xed: {  	v8 =	vor.u32 $0x6, v4;
	v7 =	vld.idx.msk [tilespmem:v4+s19+$0x0], $0xffff  }
0xee: {  	v6 =	vld.idx.msk [tilespmem:v6+s19+$0x0], $0xffff  }
0xef: {  	v10 =	vor.u32 $0x1, v4;
	v9 =	vld [tilespmem:s10+$0xFFFFEE00]  }
0xf0: {  	v5 =	vld.idx.msk [tilespmem:v5+s19+$0x0], $0xffff  }
0xf1: {  	v12 =	vor.u32 $0x5, v4;
	v11 =	vld [tilespmem:s10+$0xFFFFF400]  }
0xf2: {  	v8 =	vld.idx.msk [tilespmem:v8+s19+$0x0], $0xffff  }
0xf3: {  	v14 =	vor.u32 $0x3, v4;
	v13 =	vld [tilespmem:s10+$0xFFFFFA00]  }
0xf4: {  	v3 =	vmul.f32 v3, v7;
	v6 =	vmul.f32 v9, v6;
	v7 =	vld.idx.msk [tilespmem:v10+s19+$0x0], $0xffff  }
0xf5: {  	v4 =	vor.u32 $0x7, v4;
	v9 =	vld [tilespmem:s10+$0x0]  }
0xf6: {  	v3 =	vadd.f32 v6, v3;
	v5 =	vmul.f32 v11, v5;
	v6 =	vld.idx.msk [tilespmem:v12+s19+$0x0], $0xffff  }
0xf7: {  	v10 =	vld [tilespmem:s10+$0x600]  }
0xf8: {  	v3 =	vadd.f32 v5, v3;
	v5 =	vmul.f32 v13, v8;
	v8 =	vld.idx.msk [tilespmem:v14+s19+$0x0], $0xffff  }
0xf9: {  	v11 =	vld [tilespmem:s10+$0xC00]  }
0xfa: {  	v5 =	vadd.f32 v5, v3;
	v7 =	vmul.f32 v9, v7;
	v3 =	vld.idx.msk [tilespmem:v4+s19+$0x0], $0xffff  }
.Ltmp2:
0xfb: {  	v4 =	vld [tilespmem:s10+$0x1200];
	(pc) =	sbr.rel @p0 .LBB2_7-.Ltmp2, $3  }
0xfc: {  	v5 =	vadd.f32 v7, v5;
	v6 =	vmul.f32 v10, v6;
	_ =	sdelay $0x1  }
0xfd: {  	v5 =	vadd.f32 v6, v5;
	v6 =	vmul.f32 v11, v8  }
0xfe: {  	v7 =	vmov s11;
	s11 =	sadd.s32 $0x10, s11  }
0xff: {  	v5 =	vadd.f32 v6, v5;
	v3 =	vmul.f32 v4, v3  }
0x100: {  	v7 =	vshll.u32 v7, $0x3  }
0x101: {  	v50 =	vor.u32 v2, v7;
	v3 =	vadd.f32 v3, v5  }
0x102: {  	s9 =	sadd.s32 $0x10, s9;
	v51 =	vor.u32 $0x4, v50  }
0x103: {  	s10 =	sadd.s32 $0x10, s10;
	[tilespmem:s9+$0x0] =	vst v3  }
0x104: {  	v52 =	vor.u32 $0x2, v50;
	v3 =	vld [tilespmem:s10+$0xFFFFE800]  }
0x105: {  	v9 =	vld [tilespmem:s10+$0xFFFFEE00]  }
0x106: {  	v8 =	vor.u32 $0x6, v50;
	v7 =	vld.idx.msk [tilespmem:v50+s19+$0x0], $0xffff  }
0x107: {  	v6 =	vld.idx.msk [tilespmem:v51+s19+$0x0], $0xffff  }
0x108: {  	v10 =	vor.u32 $0x1, v50;
	v11 =	vld [tilespmem:s10+$0xFFFFF400]  }
0x109: {  	v5 =	vld.idx.msk [tilespmem:v52+s19+$0x0], $0xffff  }
0x10a: {  	v12 =	vor.u32 $0x5, v50;
	v13 =	vld [tilespmem:s10+$0xFFFFFA00]  }
0x10b: {  	v8 =	vld.idx.msk [tilespmem:v8+s19+$0x0], $0xffff  }
0x10c: {  	v14 =	vor.u32 $0x3, v50;
	v54 =	vld [tilespmem:s10+$0x0];
	v3 =	vmul.f32 v3, v7;
	v6 =	vmul.f32 v9, v6  }
0x10d: {  	v53 =	vld.idx.msk [tilespmem:v10+s19+$0x0], $0xffff  }
0x10e: {  	v4 =	vor.u32 $0x7, v50;
	v56 =	vld [tilespmem:s10+$0x600];
	v5 =	vmul.f32 v11, v5;
	v3 =	vadd.f32 v6, v3  }
0x10f: {  	v55 =	vld.idx.msk [tilespmem:v12+s19+$0x0], $0xffff  }
0x110: {  	v59 =	vld [tilespmem:s10+$0xC00];
	v57 =	vmul.f32 v13, v8;
	v3 =	vadd.f32 v5, v3  }
0x111: {  	v58 =	vld.idx.msk [tilespmem:v14+s19+$0x0], $0xffff  }
0x112: {  	v61 =	vld [tilespmem:s10+$0x1200];
	v60 =	vmul.f32 v54, v53;
	v3 =	vadd.f32 v57, v3  }
0x113: {  	v4 =	vld.idx.msk [tilespmem:v4+s19+$0x0], $0xffff  }
0x114: {  	v62 =	vmul.f32 v56, v55;
	v3 =	vadd.f32 v60, v3;
	_ =	sdelay $0x1  }
0x115: {  	v63 =	vmul.f32 v59, v58;
	v3 =	vadd.f32 v62, v3;
	_ =	sdelay $0x1  }
0x116: {  	v4 =	vmul.f32 v61, v4;
	v3 =	vadd.f32 v63, v3;
	_ =	sdelay $0x1  }
0x117: {  	s11 =	sadd.s32 s6, s1;
	v3 =	vadd.f32 v4, v3  }
0x118: {  	p0 =	seq.s32 s31, $0x23;
	s9 =	sadd.s32 $0x10, s9;
	s10 =	sshrl.u32 s11, $0x3  }
.Ltmp3:
0x119: {  	s11 =	sadd.s32 s8, s10;
	[tilespmem:s9+$0x0] =	vst v3;
	(pc) =	sbr.rel @p0 .LBB2_12-.Ltmp3, $4  }
0x11a: {  	[hbm4b:s11+s2] =	stream.linear.scatter [tilespmem:s26], [sflag:$0x3], $0x600, $0x38;
	[tilespmem:$0xF600] =	vst v63  }
0x11b: {  	_ =	swait.ge [sflag:s15], $0x600  }
0x11c: {  	[sflag:s15] =	ssyncset.done $0x0  }
0x11d: {  	[sflag:s15] =	ssyncadd.s32 $0xFFFFFA00  }
0x11e: {  	s1 =	sadd.s32 s1, s13  }
0x11f: {  	s1 =	sshrl.u32 s1, $0x3  }
0x120: {  	s10 =	simm.s32 $0x0;
	s9 =	sadd.s32 s4, s1  }
0x121: {  	[tilespmem:s10], [sflag:$0x3] =	stream.linear.gather [hbm4b:s9+s10], $0x600, $0x38;
	[tilespmem:$0xF600] =	vst v63  }
0x122: {  	_ =	swait.ge [sflag:s15], $0x600  }
0x123: {  	[sflag:s15] =	ssyncset.done $0x0  }
0x124: {  	s11 =	sadd.s32 s5, s1;
	[sflag:s15] =	ssyncadd.s32 $0xFFFFFA00  }
0x125: {  	[tilespmem:s16], [sflag:$0x3] =	stream.linear.gather [hbm4b:s11+s10], $0x600, $0x38;
	[tilespmem:$0xF600] =	vst v63  }
0x126: {  	_ =	swait.ge [sflag:s15], $0x600  }
0x127: {  	[sflag:s15] =	ssyncset.done $0x0  }
0x128: {  	s1 =	sadd.s32 s7, s1;
	[sflag:s15] =	ssyncadd.s32 $0xFFFFFA00  }
0x129: {  	[tilespmem:s17], [sflag:$0x3] =	stream.linear.gather [hbm4b:s1+s10], $0x600, $0x38;
	[tilespmem:$0xF600] =	vst v63  }
0x12a: {  	_ =	swait.ge [sflag:s15], $0x600  }
0x12b: {  	[sflag:s15] =	ssyncset.done $0x0  }
0x12c: {  	s1 =	simm.s32 $0x0;
	[sflag:s15] =	ssyncadd.s32 $0xFFFFFA00  }
0x12d: {  	v4 =	vld [tilespmem:s1+$0x0]  }
0x12e: {  	v6 =	vld [tilespmem:s1+$0xC00];
	_ =	sdelay $0x1  }
0x12f: {  	v7 =	vld [tilespmem:s1+$0x600];
	_ =	sdelay $0x2  }
0x130: {  	vm0 =	vle.f32 v4, $9.500000000e+01;
	vm1 =	vge.f32 v6, $0.0e+00;
	v3 =	vmax.f32 v6, $0.0e+00  }
0x131: {  	vm2 =	vge.f32 v4, $0.0e+00;
	v5 =	vmax.f32 v4, $0.0e+00;
	v3 =	vmin.f32 v3, $9.500000000e+01  }
0x132: {  	v8 =	vmax.f32 v7, $0.0e+00;
	v5 =	vmin.f32 v5, $9.500000000e+01;
	v3 =	vtrunc.f32 v3  }
0x133: {  	v8 =	vmin.f32 v8, $9.500000000e+01;
	v5 =	vtrunc.f32 v5;
	v3 =	vcvt.f32.s32 v3  }
0x134: {  	vm3 =	vge.f32 v7, $0.0e+00;
	v8 =	vtrunc.f32 v8;
	v5 =	vcvt.f32.s32 v5  }
0x135: {  	vm2 =	vmand vm2, vm3;
	v9 =	vcvt.f32.s32 v8;
	v8 =	vcvt.s32.f32 v3  }
0x136: {  	vm14 =	vle.f32 v7, $9.500000000e+01;
	vm0 =	vmand vm2, vm0;
	v10 =	vcvt.s32.f32 v5  }
0x137: {  	vm0 =	vmand vm14, vm0;
	v11 =	vcvt.s32.f32 v9;
	v8 =	vsub.f32 v6, v8  }
0x138: {  	vm15 =	vle.f32 v6, $9.500000000e+01;
	vm0 =	vmand vm1, vm0;
	v4 =	vsub.f32 v4, v10  }
0x139: {  	vm0 =	vmand vm15, vm0;
	v7 =	vsub.f32 v7, v11;
	v6 =	vadd.f32 $-1.000000000e+00, v8  }
0x13a: {  	v12 =	vsel vm0, $0x3F800000, v1;
	v13 =	vadd.f32 $-1.000000000e+00, v4;
	v8 =	vand.u32 $0x7FFFFFFF, v8  }
0x13b: {  	v4 =	vand.u32 $0x7FFFFFFF, v4;
	v14 =	vand.u32 $0x7FFFFFFF, v7;
	v10 =	vand.u32 $0x7FFFFFFF, v6  }
0x13c: {  	v15 =	vadd.f32 $-1.000000000e+00, v7;
	v6 =	vmul.f32 v12, v4;
	v11 =	vmul.f32 v10, v14  }
0x13d: {  	s9 =	simm.s32 $0x10;
	v9 =	vmul.u32 $0x60, v9;
	v7 =	vmul.f32 v8, v14;
	v13 =	vand.u32 $0x7FFFFFFF, v13  }
0x13e: {  	s10 =	simm.s32 $0x80;
	v4 =	vld [tilespmem:s9+$0x0];
	v12 =	vmul.f32 v12, v13;
	v14 =	vand.u32 $0x7FFFFFFF, v15;
	v13 =	vmul.f32 v11, v6  }
.LBB2_10:
0x13f: {  	p0 =	sne.s32 s10, $0x17C0;
	v15 =	vld [tilespmem:s9+$0xC00];
	v10 =	vmul.f32 v10, v14;
	v8 =	vmul.f32 v8, v14;
	v3 =	vmul.u32 $0x2400, v3  }
0x140: {  	v5 =	vadd.s32 v5, v0;
	v11 =	vmul.f32 v11, v12;
	v14 =	vmul.f32 v7, v12;
	[tilespmem:s1+$0x5400] =	vst v13  }
0x141: {  	v5 =	vadd.s32 v9, v5;
	v13 =	vld [tilespmem:s9+$0x600];
	v9 =	vmul.f32 v10, v12;
	v12 =	vmul.f32 v8, v12  }
0x142: {  	v16 =	vadd.s32 v3, v5;
	v3 =	vmul.f32 v10, v6;
	v5 =	vmul.f32 v8, v6;
	[tilespmem:s1+$0x3C00] =	vst v11  }
0x143: {  	v6 =	vmul.f32 v7, v6;
	[tilespmem:s1+$0x3000] =	vst v9  }
0x144: {  	vm1 =	vle.f32 v4, $9.500000000e+01;
	vm0 =	vge.f32 v15, $0.0e+00;
	v7 =	vmax.f32 v15, $0.0e+00;
	[tilespmem:s1+$0x3600] =	vst v12  }
0x145: {  	vm2 =	vge.f32 v4, $0.0e+00;
	v8 =	vmax.f32 v4, $0.0e+00;
	v7 =	vmin.f32 v7, $9.500000000e+01;
	[tilespmem:s1+$0x4200] =	vst v14  }
0x146: {  	v8 =	vmin.f32 v8, $9.500000000e+01;
	v9 =	vmax.f32 v13, $0.0e+00;
	v7 =	vtrunc.f32 v7;
	[tilespmem:s1+$0x4800] =	vst v3  }
0x147: {  	v8 =	vtrunc.f32 v8;
	v9 =	vmin.f32 v9, $9.500000000e+01;
	v3 =	vcvt.f32.s32 v7;
	[tilespmem:s1+$0x4E00] =	vst v5  }
0x148: {  	vm3 =	vge.f32 v13, $0.0e+00;
	v5 =	vcvt.f32.s32 v8;
	v7 =	vtrunc.f32 v9;
	[tilespmem:s1+$0x5A00] =	vst v6  }
0x149: {  	vm2 =	vmand vm2, vm3;
	v9 =	vcvt.f32.s32 v7;
	v6 =	vcvt.s32.f32 v3;
	[tilespmem:s1+$0x2400] =	vst v16;
	s1 =	smov.u32 s9  }
0x14a: {  	vm1 =	vmand vm2, vm1;
	vm2 =	vle.f32 v13, $9.500000000e+01;
	v7 =	vcvt.s32.f32 v5  }
0x14b: {  	vm1 =	vmand vm2, vm1;
	v8 =	vcvt.s32.f32 v9;
	v6 =	vsub.f32 v15, v6  }
0x14c: {  	vm0 =	vmand vm0, vm1;
	vm1 =	vle.f32 v15, $9.500000000e+01;
	v4 =	vsub.f32 v4, v7  }
0x14d: {  	vm0 =	vmand vm1, vm0;
	v7 =	vsub.f32 v13, v8;
	v10 =	vadd.f32 $-1.000000000e+00, v6  }
.Ltmp4:
0x14e: {  	v12 =	vsel vm0, $0x3F800000, v1;
	v13 =	vadd.f32 $-1.000000000e+00, v4;
	v8 =	vand.u32 $0x7FFFFFFF, v6;
	(pc) =	sbr.rel @p0 .LBB2_10-.Ltmp4, $4  }
0x14f: {  	v4 =	vand.u32 $0x7FFFFFFF, v4;
	v14 =	vand.u32 $0x7FFFFFFF, v7;
	v10 =	vand.u32 $0x7FFFFFFF, v10  }
0x150: {  	v6 =	vmul.f32 v12, v4;
	v15 =	vadd.f32 $-1.000000000e+00, v7;
	v11 =	vmul.f32 v10, v14  }
0x151: {  	s9 =	sshra.s32 s10, $0x2;
	v9 =	vmul.u32 $0x60, v9;
	v13 =	vand.u32 $0x7FFFFFFF, v13;
	v7 =	vmul.f32 v8, v14  }
0x152: {  	s10 =	sadd.s32 $0x40, s10;
	v12 =	vmul.f32 v12, v13;
	v14 =	vand.u32 $0x7FFFFFFF, v15;
	v4 =	vld [tilespmem:s9+$0x0];
	v13 =	vmul.f32 v11, v6  }
0x153: {  	v15 =	vld [tilespmem:s9+$0xC00]  }
0x154: {  	v10 =	vmul.f32 v10, v14;
	v8 =	vmul.f32 v8, v14;
	v5 =	vadd.s32 v5, v0;
	[tilespmem:s1+$0x5400] =	vst v13  }
0x155: {  	v44 =	vmul.f32 v7, v6;
	v3 =	vmul.u32 $0x2400, v3;
	v11 =	vmul.f32 v11, v12;
	v40 =	vld [tilespmem:s9+$0x600]  }
0x156: {  	v39 =	vmul.f32 v7, v12;
	v5 =	vadd.s32 v9, v5;
	v16 =	vmul.f32 v10, v12  }
0x157: {  	v41 =	vmul.f32 v8, v12;
	v10 =	vmul.f32 v10, v6;
	v3 =	vadd.s32 v3, v5  }
0x158: {  	vm0 =	vle.f32 v4, $9.500000000e+01;
	v17 =	vmax.f32 v4, $0.0e+00;
	v42 =	vmax.f32 v15, $0.0e+00  }
0x159: {  	vm2 =	vge.f32 v4, $0.0e+00;
	vm1 =	vge.f32 v15, $0.0e+00;
	v12 =	vmin.f32 v42, $9.500000000e+01  }
0x15a: {  	v17 =	vmin.f32 v17, $9.500000000e+01;
	v12 =	vtrunc.f32 v12;
	v18 =	vmax.f32 v40, $0.0e+00  }
0x15b: {  	v17 =	vtrunc.f32 v17;
	v12 =	vcvt.f32.s32 v12;
	v18 =	vmin.f32 v18, $9.500000000e+01  }
0x15c: {  	vm3 =	vge.f32 v40, $0.0e+00;
	v17 =	vcvt.f32.s32 v17;
	v18 =	vtrunc.f32 v18  }
0x15d: {  	vm2 =	vmand vm2, vm3;
	v19 =	vcvt.s32.f32 v12;
	v18 =	vcvt.f32.s32 v18  }
0x15e: {  	vm14 =	vle.f32 v40, $9.500000000e+01;
	vm0 =	vmand vm2, vm0;
	v20 =	vcvt.s32.f32 v17  }
0x15f: {  	vm0 =	vmand vm14, vm0;
	v19 =	vsub.f32 v15, v19;
	v43 =	vcvt.s32.f32 v18  }
0x160: {  	[tilespmem:s1+$0x5A00] =	vst v44;
	vm15 =	vle.f32 v15, $9.500000000e+01;
	vm0 =	vmand vm1, vm0;
	v45 =	vsub.f32 v4, v20  }
0x161: {  	[tilespmem:s1+$0x3C00] =	vst v11;
	vm0 =	vmand vm15, vm0;
	v46 =	vsub.f32 v40, v43;
	v47 =	vadd.f32 $-1.000000000e+00, v19  }
0x162: {  	[tilespmem:s1+$0x4200] =	vst v39;
	v48 =	vsel vm0, $0x3F800000, v1;
	v49 =	vadd.f32 $-1.000000000e+00, v45;
	v4 =	vand.u32 $0x7FFFFFFF, v45  }
0x163: {  	[tilespmem:s1+$0x2400] =	vst v3;
	v4 =	vmul.f32 v48, v4;
	v50 =	vand.u32 $0x7FFFFFFF, v46;
	v11 =	vand.u32 $0x7FFFFFFF, v47  }
0x164: {  	[tilespmem:s1+$0x3000] =	vst v16;
	v14 =	vand.u32 $0x7FFFFFFF, v49;
	v7 =	vadd.f32 $-1.000000000e+00, v46;
	v51 =	vmul.f32 v11, v50  }
0x165: {  	v8 =	vmul.f32 v8, v6;
	[tilespmem:s1+$0x3600] =	vst v41;
	v53 =	vand.u32 $0x7FFFFFFF, v19;
	v52 =	vmul.f32 v48, v14  }
0x166: {  	[tilespmem:s1+$0x4800] =	vst v10;
	v6 =	vmul.f32 v53, v50;
	v7 =	vand.u32 $0x7FFFFFFF, v7;
	v54 =	vmul.f32 v51, v4  }
0x167: {  	[tilespmem:s1+$0x4E00] =	vst v8;
	v55 =	vmul.f32 v11, v7;
	v56 =	vmul.f32 v51, v52  }
0x168: {  	v3 =	vmul.f32 v53, v7;
	v5 =	vmul.f32 v6, v52;
	[tilespmem:s9+$0x5400] =	vst v54  }
0x169: {  	v57 =	vmul.f32 v55, v52;
	[tilespmem:s9+$0x3C00] =	vst v56  }
0x16a: {  	v58 =	vmul.f32 v3, v52;
	[tilespmem:s9+$0x4200] =	vst v5  }
0x16b: {  	v59 =	vmul.f32 v55, v4;
	[tilespmem:s9+$0x3000] =	vst v57  }
0x16c: {  	v60 =	vmul.u32 $0x60, v18;
	v3 =	vmul.f32 v3, v4;
	[tilespmem:s9+$0x3600] =	vst v58  }
0x16d: {  	v62 =	vadd.s32 v17, v0;
	v61 =	vmul.u32 $0x2400, v12;
	v4 =	vmul.f32 v6, v4;
	[tilespmem:s9+$0x4800] =	vst v59  }
0x16e: {  	v63 =	vadd.s32 v60, v62;
	[tilespmem:s9+$0x4E00] =	vst v3  }
0x16f: {  	v3 =	vadd.s32 v61, v63;
	[tilespmem:s9+$0x5A00] =	vst v4  }
0x170: {  	[tilespmem:s9+$0x2400] =	vst v3  }
0x171: {  	[tilespmem:s19], [sflag:$0x1] =	stream.indirect.gather [hbm4b:s3+s16], $0x8, s18, s16, $0xb8;
	[tilespmem:$0xF600] =	vst v63  }
.LBB2_12:
0x172: {  	s1 =	simm.s32 $0x0  }
0x173: {  	v3 =	vmov s1  }
0x174: {  	v3 =	vshll.u32 v3, $0x3  }
0x175: {  	_ =	swait.ge [sflag:s28], $0x3000;
	v3 =	vor.u32 v2, v3  }
0x176: {  	[sflag:s28] =	ssyncset.done $0x0;
	v4 =	vor.u32 $0x4, v3  }
0x177: {  	s10 =	simm.s32 $0x7800;
	[sflag:s28] =	ssyncadd.s32 $0xFFFFD000  }
0x178: {  	v6 =	vld [tilespmem:s10+$0xFFFFE800];
	v5 =	vor.u32 $0x2, v3  }
0x179: {  	v9 =	vld [tilespmem:s10+$0xFFFFEE00]  }
0x17a: {  	v8 =	vor.u32 $0x6, v3;
	v7 =	vld.idx.msk [tilespmem:v3+s24+$0x0], $0xffff  }
0x17b: {  	v4 =	vld.idx.msk [tilespmem:v4+s24+$0x0], $0xffff  }
0x17c: {  	v11 =	vld [tilespmem:s10+$0xFFFFF400];
	v10 =	vor.u32 $0x1, v3  }
0x17d: {  	v5 =	vld.idx.msk [tilespmem:v5+s24+$0x0], $0xffff  }
0x17e: {  	v13 =	vld [tilespmem:s10+$0xFFFFFA00];
	v12 =	vor.u32 $0x5, v3  }
0x17f: {  	v8 =	vld.idx.msk [tilespmem:v8+s24+$0x0], $0xffff  }
0x180: {  	v52 =	vld [tilespmem:s10+$0x0];
	v14 =	vor.u32 $0x3, v3;
	v6 =	vmul.f32 v6, v7;
	v4 =	vmul.f32 v9, v4  }
0x181: {  	v3 =	vor.u32 $0x7, v3;
	v7 =	vld.idx.msk [tilespmem:v10+s24+$0x0], $0xffff  }
0x182: {  	v53 =	vld [tilespmem:s10+$0x600];
	v5 =	vmul.f32 v11, v5;
	v4 =	vadd.f32 v4, v6  }
0x183: {  	v6 =	vld.idx.msk [tilespmem:v12+s24+$0x0], $0xffff  }
0x184: {  	v54 =	vld [tilespmem:s10+$0xC00];
	v4 =	vadd.f32 v5, v4;
	v5 =	vmul.f32 v13, v8  }
0x185: {  	v8 =	vld.idx.msk [tilespmem:v14+s24+$0x0], $0xffff  }
0x186: {  	v3 =	vld.idx.msk [tilespmem:v3+s24+$0x0], $0xffff;
	v4 =	vadd.f32 v5, v4;
	v5 =	vmul.f32 v52, v7  }
0x187: {  	v7 =	vld [tilespmem:s10+$0x1200]  }
0x188: {  	v4 =	vadd.f32 v5, v4;
	v5 =	vmul.f32 v53, v6;
	_ =	sdelay $0x1  }
0x189: {  	s11 =	simm.s32 $0x10;
	v4 =	vadd.f32 v5, v4;
	v5 =	vmul.f32 v54, v8  }
0x18a: {  	v6 =	vmov s11  }
0x18b: {  	v6 =	vshll.u32 v6, $0x3;
	v3 =	vmul.f32 v7, v3;
	v4 =	vadd.f32 v5, v4  }
0x18c: {  	v5 =	vor.u32 v2, v6  }
0x18d: {  	v3 =	vadd.f32 v3, v4  }
0x18e: {  	s1 =	simm.s32 $0xF000;
	v6 =	vor.u32 $0x4, v5  }
0x18f: {  	s9 =	simm.s32 $0x7810;
	[tilespmem:s1+$0x0] =	vst v3  }
0x190: {  	v4 =	vor.u32 $0x2, v5;
	v3 =	vld [tilespmem:s9+$0xFFFFE800]  }
0x191: {  	v7 =	vld.idx.msk [tilespmem:v5+s24+$0x0], $0xffff  }
0x192: {  	v8 =	vor.u32 $0x6, v5;
	v55 =	vld [tilespmem:s9+$0xFFFFEE00]  }
0x193: {  	v6 =	vld.idx.msk [tilespmem:v6+s24+$0x0], $0xffff  }
0x194: {  	v56 =	vor.u32 $0x1, v5;
	v57 =	vld [tilespmem:s9+$0xFFFFF400]  }
0x195: {  	v4 =	vld.idx.msk [tilespmem:v4+s24+$0x0], $0xffff  }
0x196: {  	v59 =	vld [tilespmem:s9+$0xFFFFFA00]  }
0x197: {  	v8 =	vld.idx.msk [tilespmem:v8+s24+$0x0], $0xffff  }
0x198: {  	v58 =	vor.u32 $0x5, v5;
	v61 =	vld [tilespmem:s9+$0x0];
	v3 =	vmul.f32 v3, v7;
	v6 =	vmul.f32 v55, v6  }
0x199: {  	v7 =	vld.idx.msk [tilespmem:v56+s24+$0x0], $0xffff  }
0x19a: {  	v60 =	vor.u32 $0x3, v5;
	v4 =	vmul.f32 v57, v4;
	v3 =	vadd.f32 v6, v3  }
0x19b: {  	v5 =	vor.u32 $0x7, v5  }
0x19c: {  	v62 =	vld [tilespmem:s9+$0x600];
	v3 =	vadd.f32 v4, v3;
	v4 =	vmul.f32 v59, v8  }
0x19d: {  	v6 =	vld.idx.msk [tilespmem:v58+s24+$0x0], $0xffff  }
0x19e: {  	v63 =	vld [tilespmem:s9+$0xC00];
	v3 =	vadd.f32 v4, v3;
	v4 =	vmul.f32 v61, v7  }
0x19f: {  	v8 =	vld.idx.msk [tilespmem:v60+s24+$0x0], $0xffff  }
0x1a0: {  	v7 =	vadd.f32 v4, v3;
	v3 =	vld.idx.msk [tilespmem:v5+s24+$0x0], $0xffff  }
0x1a1: {  	v4 =	vld [tilespmem:s9+$0x1200]  }
0x1a2: {  	v6 =	vmul.f32 v62, v6;
	_ =	sdelay $0x1  }
0x1a3: {  	s10 =	simm.s32 $0x20;
	v5 =	vadd.f32 v6, v7;
	v6 =	vmul.f32 v63, v8  }
0x1a4: {  	v7 =	vmov s10;
	s10 =	simm.s32 $0x30  }
.LBB2_13:
0x1a5: {  	p0 =	sne.s32 s10, $0x5F0;
	v7 =	vshll.u32 v7, $0x3;
	v5 =	vadd.f32 v6, v5;
	v3 =	vmul.f32 v4, v3  }
0x1a6: {  	v4 =	vor.u32 v2, v7  }
0x1a7: {  	v6 =	vor.u32 $0x4, v4;
	v3 =	vadd.f32 v3, v5  }
0x1a8: {  	s1 =	sadd.s32 $0x10, s1  }
0x1a9: {  	s9 =	sadd.s32 $0x10, s9;
	v5 =	vor.u32 $0x2, v4;
	[tilespmem:s1+$0x0] =	vst v3  }
0x1aa: {  	v3 =	vld [tilespmem:s9+$0xFFFFE800]  }
0x1ab: {  	v8 =	vor.u32 $0x6, v4;
	v7 =	vld.idx.msk [tilespmem:v4+s24+$0x0], $0xffff  }
0x1ac: {  	v6 =	vld.idx.msk [tilespmem:v6+s24+$0x0], $0xffff  }
0x1ad: {  	v10 =	vor.u32 $0x1, v4;
	v9 =	vld [tilespmem:s9+$0xFFFFEE00]  }
0x1ae: {  	v5 =	vld.idx.msk [tilespmem:v5+s24+$0x0], $0xffff  }
0x1af: {  	v12 =	vor.u32 $0x5, v4;
	v11 =	vld [tilespmem:s9+$0xFFFFF400]  }
0x1b0: {  	v8 =	vld.idx.msk [tilespmem:v8+s24+$0x0], $0xffff  }
0x1b1: {  	v14 =	vor.u32 $0x3, v4;
	v13 =	vld [tilespmem:s9+$0xFFFFFA00]  }
0x1b2: {  	v3 =	vmul.f32 v3, v7;
	v6 =	vmul.f32 v9, v6;
	v7 =	vld.idx.msk [tilespmem:v10+s24+$0x0], $0xffff  }
0x1b3: {  	v4 =	vor.u32 $0x7, v4;
	v9 =	vld [tilespmem:s9+$0x0]  }
0x1b4: {  	v3 =	vadd.f32 v6, v3;
	v5 =	vmul.f32 v11, v5;
	v6 =	vld.idx.msk [tilespmem:v12+s24+$0x0], $0xffff  }
0x1b5: {  	v10 =	vld [tilespmem:s9+$0x600]  }
0x1b6: {  	v3 =	vadd.f32 v5, v3;
	v5 =	vmul.f32 v13, v8;
	v8 =	vld.idx.msk [tilespmem:v14+s24+$0x0], $0xffff  }
0x1b7: {  	v11 =	vld [tilespmem:s9+$0xC00]  }
0x1b8: {  	v5 =	vadd.f32 v5, v3;
	v7 =	vmul.f32 v9, v7;
	v3 =	vld.idx.msk [tilespmem:v4+s24+$0x0], $0xffff  }
.Ltmp5:
0x1b9: {  	v4 =	vld [tilespmem:s9+$0x1200];
	(pc) =	sbr.rel @p0 .LBB2_13-.Ltmp5, $3  }
0x1ba: {  	v5 =	vadd.f32 v7, v5;
	v6 =	vmul.f32 v10, v6;
	_ =	sdelay $0x1  }
0x1bb: {  	v5 =	vadd.f32 v6, v5;
	v6 =	vmul.f32 v11, v8  }
0x1bc: {  	v7 =	vmov s10;
	s10 =	sadd.s32 $0x10, s10  }
0x1bd: {  	v5 =	vadd.f32 v6, v5;
	v3 =	vmul.f32 v4, v3  }
0x1be: {  	v7 =	vshll.u32 v7, $0x3  }
0x1bf: {  	v50 =	vor.u32 v2, v7;
	v3 =	vadd.f32 v3, v5  }
0x1c0: {  	s1 =	sadd.s32 $0x10, s1;
	v51 =	vor.u32 $0x4, v50  }
0x1c1: {  	s9 =	sadd.s32 $0x10, s9;
	[tilespmem:s1+$0x0] =	vst v3  }
0x1c2: {  	v52 =	vor.u32 $0x2, v50;
	v3 =	vld [tilespmem:s9+$0xFFFFE800]  }
0x1c3: {  	v9 =	vld [tilespmem:s9+$0xFFFFEE00]  }
0x1c4: {  	v8 =	vor.u32 $0x6, v50;
	v7 =	vld.idx.msk [tilespmem:v50+s24+$0x0], $0xffff  }
0x1c5: {  	v6 =	vld.idx.msk [tilespmem:v51+s24+$0x0], $0xffff  }
0x1c6: {  	v10 =	vor.u32 $0x1, v50;
	v11 =	vld [tilespmem:s9+$0xFFFFF400]  }
0x1c7: {  	v5 =	vld.idx.msk [tilespmem:v52+s24+$0x0], $0xffff  }
0x1c8: {  	v12 =	vor.u32 $0x5, v50;
	v13 =	vld [tilespmem:s9+$0xFFFFFA00]  }
0x1c9: {  	v8 =	vld.idx.msk [tilespmem:v8+s24+$0x0], $0xffff  }
0x1ca: {  	v14 =	vor.u32 $0x3, v50;
	v54 =	vld [tilespmem:s9+$0x0];
	v3 =	vmul.f32 v3, v7;
	v6 =	vmul.f32 v9, v6  }
0x1cb: {  	v53 =	vld.idx.msk [tilespmem:v10+s24+$0x0], $0xffff  }
0x1cc: {  	v4 =	vor.u32 $0x7, v50;
	v56 =	vld [tilespmem:s9+$0x600];
	v5 =	vmul.f32 v11, v5;
	v3 =	vadd.f32 v6, v3  }
0x1cd: {  	v55 =	vld.idx.msk [tilespmem:v12+s24+$0x0], $0xffff  }
0x1ce: {  	v59 =	vld [tilespmem:s9+$0xC00];
	v57 =	vmul.f32 v13, v8;
	v3 =	vadd.f32 v5, v3  }
0x1cf: {  	v58 =	vld.idx.msk [tilespmem:v14+s24+$0x0], $0xffff  }
0x1d0: {  	v61 =	vld [tilespmem:s9+$0x1200];
	v60 =	vmul.f32 v54, v53;
	v3 =	vadd.f32 v57, v3  }
0x1d1: {  	v4 =	vld.idx.msk [tilespmem:v4+s24+$0x0], $0xffff  }
0x1d2: {  	v62 =	vmul.f32 v56, v55;
	v3 =	vadd.f32 v60, v3;
	_ =	sdelay $0x1  }
0x1d3: {  	v63 =	vmul.f32 v59, v58;
	v3 =	vadd.f32 v62, v3;
	_ =	sdelay $0x1  }
0x1d4: {  	v4 =	vmul.f32 v61, v4;
	v3 =	vadd.f32 v63, v3;
	_ =	sdelay $0x1  }
0x1d5: {  	s31 =	sadd.s32 $0x1, s31;
	v3 =	vadd.f32 v4, v3  }
0x1d6: {  	p0 =	sne.s32 s31, $0x24;
	s1 =	sadd.s32 $0x10, s1  }
.Ltmp6:
0x1d7: {  	s0 =	sadd.s32 s8, s0;
	[tilespmem:s1+$0x0] =	vst v3;
	(pc) =	sbr.rel @p0 .LBB2_4-.Ltmp6, $4  }
0x1d8: {  	[hbm4b:s0+s2] =	stream.linear.scatter [tilespmem:s26], [sflag:$0x3], $0x600, $0x38;
	[tilespmem:$0xF600] =	vst v63  }
0x1d9: {  	_ =	swait.ge [sflag:s15], $0x600  }
0x1da: {  	[sflag:s15] =	ssyncset.done $0x0  }
0x1db: {  	[sflag:s15] =	ssyncadd.s32 $0xFFFFFA00  }
0x1dc: {  	s29 =	sadd.s32 $0x1, s29  }
0x1dd: {  	p0 =	sne.s32 s29, s14  }
.Ltmp7:
0x1de: {  	_ = 	snop;
	(pc) =	sbr.rel @p0 .LBB2_1-.Ltmp7, $1  }
0x1df: {  	_ =	sdelay $0x3  }
0x1e0: {  	_ =	sfence.sel $0x180000  }
0x1e1: {  	[bflag:$0x0] =	sbarrier.arrive $0xFFFF  }
0x1e2: {  	_ =	strace $0x9000004A  }
0x1e3: {  	s0 =	stileid.u32;
	[bflag:$0x2] =	sbarrier.arrive $0xFFFF  }
0x1e4: {  	p0 =	sne.s32 s0, $0x0;
	s0 =	rddreg [dreg:$0x1]  }
0x1e5: {  	s0 =	sadd.s32 @!p0 $0x100000, s0  }
0x1e6: {  	[sflag:s0] =	ssyncadd.tile.s32 @!p0 $0x1;
	_ =	shalt  }
.Lfunc_end2:
_tile_overlayer_lowered:
.L_overlay_start_2:
0x1e7: {  	(tag) =	ssettag $0x2  }
0x1e8: {  	s0 =	rddreg [dreg:$0x0];
	s2 =	stileid.u32  }
0x1e9: {  	s1 =	rddreg [dreg:$0x1];
	p0 =	sne.s32 s2, $0x0  }
0x1ea: {  	s3 =	rddreg [dreg:$0x2];
	[bflag:$0x3] =	sbarrier.arrive $0xFFFF;
	s2 =	simm.s32 @!p0 $0x1C03  }
0x1eb: {  	[timem:s3], [sflag:s2] =	dma.local @!p0 [hbm:s0], s1  }
0x1ec: {  	s0 =	simm.s32 @!p0 $0x3  }
0x1ed: {  	_ =	swait.ge @!p0 [sflag:s0], s1  }
0x1ee: {  	s1 =	ssub.s32 @!p0 $0x0, s1;
	[sflag:s0] =	ssyncset.done @!p0 $0x0  }
0x1ef: {  	[sflag:s0] =	ssyncadd.s32 @!p0 s1  }
0x1f0: {  	[bflag:$0x3] =	sbarrier.arrive $0xFFFF  }
0x1f1: {  	_ =	shalt  }

</sc_bundles>
